<compile_context>
chip_gen: v7x
topology: tpu7x:2x2x1
jax: 0.10.2.dev20260603
libtpu: 0.0.44.dev20260713+nightly
codegen_flags: <defaults>
</compile_context>

<pallas_src>
import functools

import jax
import jax.numpy as jnp
from jax import lax
from jax.experimental import pallas as pl
from jax.experimental.pallas import tpu as pltpu
from jax.experimental.pallas import tpu_sc as plsc

N = 10000
E = 320000
D_IN = 128
D_H = 128
D_EMB = 64
K = 16
EPS = 1e-5

NC = 2
NS = 16
NW = NC * NS
EPW = E // NW
C_E = 80
NCHUNK = 125
EPP = NCHUNK * C_E
NP = 10240
RPT = NP // NS
ZCH = RPT // C_E
R_TC = 2048
GRID = NP // R_TC

_MESH = plsc.VectorSubcoreMesh(
    core_axis_name="c", subcore_axis_name="s", num_cores=NC, num_subcores=NS)

_HIGH = lax.Precision.HIGHEST



@functools.partial(
    pl.kernel,
    out_type=jax.ShapeDtypeStruct((NC, NP, 16), jnp.float32),
    mesh=_MESH,
    scratch_types=[
        pltpu.VMEM((NCHUNK, C_E), jnp.int32),
        pltpu.VMEM((C_E, 16), jnp.float32),
        pltpu.VMEM_SHARED((NP, 16), jnp.float32),
    ],
)
def _deg_kernel(dst_hbm, zeros_hbm, ones_hbm, out_hbm, dstv, buf, shared):
    cid = lax.axis_index("c")
    sid = lax.axis_index("s")
    wid = sid * NC + cid
    base = sid * RPT

    pltpu.sync_copy(zeros_hbm.at[pl.ds(base, RPT)],
                    shared.at[pl.ds(base, RPT)])
    pltpu.sync_copy(ones_hbm, buf)
    pltpu.sync_copy(dst_hbm.at[wid], dstv)
    plsc.subcore_barrier()

    def body(j, c):
        pltpu.sync_copy(buf, shared.at[dstv.at[j]], add=True)
        return c
    lax.fori_loop(0, NCHUNK, body, 0)

    plsc.subcore_barrier()
    pltpu.sync_copy(shared.at[pl.ds(base, RPT)],
                    out_hbm.at[cid, pl.ds(base, RPT)])


def _make_agg(D):
    @functools.partial(
        pl.kernel,
        out_type=jax.ShapeDtypeStruct((NC, NP, D), jnp.float32),
        mesh=_MESH,
        scratch_types=[
            pltpu.VMEM((NCHUNK, C_E), jnp.int32),
            pltpu.VMEM((NCHUNK, C_E), jnp.int32),
            pltpu.VMEM((C_E, D), jnp.float32),
            pltpu.VMEM_SHARED((NP, D), jnp.float32),
            pltpu.SemaphoreType.DMA,
        ],
    )
    def _agg(xs_hbm, src_hbm, dst_hbm, zeros_hbm, out_hbm,
             srcv, dstv, rows0, shared, sem0):
        cid = lax.axis_index("c")
        sid = lax.axis_index("s")
        wid = sid * NC + cid
        base = sid * RPT

        pltpu.sync_copy(zeros_hbm.at[pl.ds(base, RPT)],
                        shared.at[pl.ds(base, RPT)])
        pltpu.sync_copy(src_hbm.at[wid], srcv)
        pltpu.sync_copy(dst_hbm.at[wid], dstv)
        plsc.subcore_barrier()

        def body(j, c):
            pltpu.async_copy(xs_hbm.at[srcv.at[j]], rows0, sem0).wait()
            pltpu.sync_copy(rows0, shared.at[dstv.at[j]], add=True)
            return c
        lax.fori_loop(0, NCHUNK, body, 0)

        plsc.subcore_barrier()
        pltpu.sync_copy(shared.at[pl.ds(base, RPT)],
                        out_hbm.at[cid, pl.ds(base, RPT)])

    return _agg


_agg_h = _make_agg(D_H)



def _tc1_body(x_ref, w_ref, d0_ref, d1_ref, xs_ref, dinv_ref):
    deg = d0_ref[:, 0:1] + d1_ref[:, 0:1] + 1.0
    dinv = lax.rsqrt(deg)
    xw = jnp.dot(x_ref[...], w_ref[...],
                 preferred_element_type=jnp.float32, precision=_HIGH)
    xs_ref[...] = xw * dinv
    dinv_ref[...] = dinv


_tc1 = pl.pallas_call(
    _tc1_body,
    grid=(GRID,),
    in_specs=[
        pl.BlockSpec((R_TC, D_IN), lambda i: (i, 0)),
        pl.BlockSpec((D_IN, D_H), lambda i: (0, 0)),
        pl.BlockSpec((R_TC, 16), lambda i: (i, 0)),
        pl.BlockSpec((R_TC, 16), lambda i: (i, 0)),
    ],
    out_specs=[
        pl.BlockSpec((R_TC, D_H), lambda i: (i, 0)),
        pl.BlockSpec((R_TC, 1), lambda i: (i, 0)),
    ],
    out_shape=[
        jax.ShapeDtypeStruct((NP, D_H), jnp.float32),
        jax.ShapeDtypeStruct((NP, 1), jnp.float32),
    ],
)


def _tc2_body(a0_ref, a1_ref, xs1_ref, dinv_ref, mean_ref, var_ref,
              gamma_ref, beta_ref, b1_ref, w2_ref, xs2_ref):
    dv = dinv_ref[...]
    out1 = (a0_ref[...] + a1_ref[...] + xs1_ref[...]) * dv + b1_ref[...]
    h = (out1 - mean_ref[...]) * lax.rsqrt(var_ref[...] + EPS)
    h = h * gamma_ref[...] + beta_ref[...]
    h = jnp.maximum(h, 0.0)
    xs2 = jnp.dot(h, w2_ref[...],
                  preferred_element_type=jnp.float32,
                  precision=_HIGH) * dv
    xs2_ref[...] = jnp.concatenate(
        [xs2, jnp.zeros((R_TC, D_H - D_EMB), jnp.float32)], axis=1)


_tc2 = pl.pallas_call(
    _tc2_body,
    grid=(GRID,),
    in_specs=[
        pl.BlockSpec((R_TC, D_H), lambda i: (i, 0)),
        pl.BlockSpec((R_TC, D_H), lambda i: (i, 0)),
        pl.BlockSpec((R_TC, D_H), lambda i: (i, 0)),
        pl.BlockSpec((R_TC, 1), lambda i: (i, 0)),
        pl.BlockSpec((1, D_H), lambda i: (0, 0)),
        pl.BlockSpec((1, D_H), lambda i: (0, 0)),
        pl.BlockSpec((1, D_H), lambda i: (0, 0)),
        pl.BlockSpec((1, D_H), lambda i: (0, 0)),
        pl.BlockSpec((1, D_H), lambda i: (0, 0)),
        pl.BlockSpec((D_H, D_EMB), lambda i: (0, 0)),
    ],
    out_specs=[pl.BlockSpec((R_TC, D_H), lambda i: (i, 0))],
    out_shape=[jax.ShapeDtypeStruct((NP, D_H), jnp.float32)],
)


def _tc3_body(a0_ref, a1_ref, xs2_ref, dinv_ref, b2_ref, ct_ref, t_ref,
              emb_ref, soft_ref):
    dv = dinv_ref[...]
    emb = (a0_ref[...] + a1_ref[...] + xs2_ref[...]) * dv + b2_ref[...]
    emb_ref[...] = emb
    logits = jnp.dot(emb, ct_ref[...],
                     preferred_element_type=jnp.float32,
                     precision=_HIGH) / t_ref[0]
    m = jnp.max(logits, axis=1, keepdims=True)
    e = jnp.exp(logits - m)
    soft_ref[...] = e / jnp.sum(e, axis=1, keepdims=True)


_tc3 = pl.pallas_call(
    _tc3_body,
    grid=(GRID,),
    in_specs=[
        pl.BlockSpec((R_TC, D_H), lambda i: (i, 0)),
        pl.BlockSpec((R_TC, D_H), lambda i: (i, 0)),
        pl.BlockSpec((R_TC, D_H), lambda i: (i, 0)),
        pl.BlockSpec((R_TC, 1), lambda i: (i, 0)),
        pl.BlockSpec((1, D_H), lambda i: (0, 0)),
        pl.BlockSpec((D_H, K), lambda i: (0, 0)),
        pl.BlockSpec(memory_space=pltpu.SMEM),
    ],
    out_specs=[
        pl.BlockSpec((R_TC, D_H), lambda i: (i, 0)),
        pl.BlockSpec((R_TC, K), lambda i: (i, 0)),
    ],
    out_shape=[
        jax.ShapeDtypeStruct((NP, D_H), jnp.float32),
        jax.ShapeDtypeStruct((NP, K), jnp.float32),
    ],
)



def kernel(x, edge_index, W1, b1, bn_gamma, bn_beta, bn_mean, bn_var,
           W2, b2, cluster_centers, temperature):
    src_c = edge_index[0].reshape(NW, NCHUNK, C_E)
    dst_c = edge_index[1].reshape(NW, NCHUNK, C_E)
    xp = jnp.pad(x, ((0, NP - N), (0, 0)))
    zeros16 = jnp.zeros((NP, 16), jnp.float32)
    ones16 = jnp.ones((C_E, 16), jnp.float32)
    zeros_h = jnp.zeros((NP, D_H), jnp.float32)

    degp = _deg_kernel(dst_c, zeros16, ones16)
    xs1, dinv = _tc1(xp, W1, degp[0], degp[1])

    a1 = _agg_h(xs1, src_c, dst_c, zeros_h)
    (xs2,) = _tc2(a1[0], a1[1], xs1, dinv,
                  bn_mean[None, :], bn_var[None, :],
                  bn_gamma[None, :], bn_beta[None, :],
                  b1[None, :], W2)

    a2 = _agg_h(xs2, src_c, dst_c, zeros_h)
    b2p = jnp.pad(b2, (0, D_H - D_EMB))
    ctp = jnp.pad(cluster_centers.T, ((0, D_H - D_EMB), (0, 0)))
    emb, soft = _tc3(a2[0], a2[1], xs2, dinv,
                     b2p[None, :], ctp, temperature)
    return emb[:N, :D_EMB], soft[:N]

# --- scband reference (transcript-rebuilt; emitter-appended) ---
"""Pipeline reference for scband-deep-clustering-model-893353197862 (READ-ONLY COPY).

The authoritative reference and input builder live on the scoring server;
editing this copy changes nothing except your own understanding.
"""

import jax, jax.numpy as jnp
import numpy as np

N = 10000
E = 320000
D_IN = 128
D_H = 128
D_EMB = 64
K = 16
EPS = 1e-5


def gcn_conv(x, edge_index, W, b):
    # PyG GCNConv (eval): add self loops, symmetric normalization, x @ W then propagate
    src = edge_index[0]
    dst = edge_index[1]
    n = x.shape[0]
    loop = jnp.arange(n, dtype=src.dtype)
    src = jnp.concatenate([src, loop])
    dst = jnp.concatenate([dst, loop])
    xw = x @ W
    deg = jnp.zeros((n,), jnp.float32).at[dst].add(1.0)
    dinv = jax.lax.rsqrt(deg)
    norm = dinv[src] * dinv[dst]
    msg = jnp.take(xw, src, axis=0) * norm[:, None]
    out = jnp.zeros((n, W.shape[1]), jnp.float32).at[dst].add(msg)
    return out + b


def setup_inputs(seed: int = 0) -> dict:
    key = jax.random.key(seed)
    ks = jax.random.split(key, 10)
    x = jax.random.normal(ks[0], (N, D_IN), dtype=jnp.float32)
    edge_index = jax.random.randint(ks[1], (2, E), 0, N, dtype=jnp.int32)
    W1 = jax.random.normal(ks[2], (D_IN, D_H), dtype=jnp.float32) * (1.0 / np.sqrt(D_IN))
    b1 = jnp.zeros((D_H,), jnp.float32)
    bn_gamma = jnp.ones((D_H,), jnp.float32)
    bn_beta = jnp.zeros((D_H,), jnp.float32)
    bn_mean = jnp.zeros((D_H,), jnp.float32)
    bn_var = jnp.ones((D_H,), jnp.float32)
    W2 = jax.random.normal(ks[3], (D_H, D_EMB), dtype=jnp.float32) * (1.0 / np.sqrt(D_H))
    b2 = jnp.zeros((D_EMB,), jnp.float32)
    cluster_centers = jax.random.normal(ks[4], (K, D_EMB), dtype=jnp.float32)
    temperature = jnp.ones((1,), jnp.float32)
    return {
        "x": x,
        "edge_index": edge_index,
        "W1": W1,
        "b1": b1,
        "bn_gamma": bn_gamma,
        "bn_beta": bn_beta,
        "bn_mean": bn_mean,
        "bn_var": bn_var,
        "W2": W2,
        "b2": b2,
        "cluster_centers": cluster_centers,
        "temperature": temperature,
    }


def reference(x, edge_index, W1, b1, bn_gamma, bn_beta, bn_mean, bn_var, W2, b2, cluster_centers, temperature):
    # GCNEncoder with num_layers=2 (eval mode: dropout is identity, BN uses running stats)
    h = gcn_conv(x, edge_index, W1, b1)
    h = (h - bn_mean) * jax.lax.rsqrt(bn_var + EPS) * bn_gamma + bn_beta
    h = jax.nn.relu(h)
    emb = gcn_conv(h, edge_index, W2, b2)
    sims = emb @ cluster_centers.T
    logits = sims / temperature
    soft = jax.nn.softmax(logits, axis=1)
    return emb, soft

if __name__ == "__main__":
    import jax
    _d = setup_inputs()
    print(jax.jit(kernel)(*tuple(_d.values())))

</pallas_src>

<mosaic_0001>
#map = affine_map<(d0, d1) -> (0, 0, 0)>
#map1 = affine_map<(d0, d1) -> (0, 0)>
module attributes {stable_mosaic.version = 14 : i64} {
  func.func @_deg_kernel(%arg0: i32, %arg1: i32, %arg2: memref<32x125x80xi32, #tpu.memory_space<hbm>>, %arg3: memref<10240x16xf32, #tpu.memory_space<hbm>>, %arg4: memref<80x16xf32, #tpu.memory_space<hbm>>, %arg5: memref<2x10240x16xf32, #tpu.memory_space<hbm>>, %arg6: memref<125x80xi32, #tpu.memory_space<vmem>>, %arg7: memref<80x16xf32, #tpu.memory_space<vmem>>, %arg8: memref<10240x16xf32, #tpu.memory_space<vmem_shared>>) attributes {dimension_semantics = [#tpu.dimension_semantics<core_parallel>, #tpu.dimension_semantics<subcore_parallel>], iteration_bounds = array<i64: 2, 16>, scalar_prefetch = 0 : i64, scratch_operands = 3 : i64, tpu.core_type = #tpu.core_type<sc_vector_subcore>, window_params = [{transform_indices = #map}, {transform_indices = #map1}, {transform_indices = #map1}, {transform_indices = #map}]} {
    %mul3A = arith.constant 2 : i32
    %mul3A_0 = arith.muli %arg1, %mul3A : i32
    %add3A = arith.addi %mul3A_0, %arg0 : i32
    %mul3A_1 = arith.constant 640 : i32
    %mul3A_2 = arith.muli %arg1, %mul3A_1 : i32
    "tpu.region"() ({
      %run_scoped3A = tpu.sem_alloc : memref<!tpu.dma_semaphore, #tpu.memory_space<semaphore_mem>>
      %dma_start3A = arith.constant 0 : i32
      %dma_start3A_9 = tpu.memref_slice %arg8[%mul3A_2, %dma_start3A] : memref<10240x16xf32, #tpu.memory_space<vmem_shared>> -> memref<640x16xf32, #tpu.memory_space<vmem_shared>>
      %dma_start3A_10 = arith.constant 0 : i32
      %dma_start3A_11 = tpu.memref_slice %arg3[%mul3A_2, %dma_start3A_10] : memref<10240x16xf32, #tpu.memory_space<hbm>> -> memref<640x16xf32, #tpu.memory_space<hbm>>
      tpu.enqueue_dma source(%dma_start3A_11 : memref<640x16xf32, #tpu.memory_space<hbm>>) target(%dma_start3A_9 : memref<640x16xf32, #tpu.memory_space<vmem_shared>>) target_semaphore(%run_scoped3A : memref<!tpu.dma_semaphore, #tpu.memory_space<semaphore_mem>>)
      %dma_wait3A = arith.constant 0 : i32
      %dma_wait3A_12 = tpu.memref_slice %arg8[%mul3A_2, %dma_wait3A] : memref<10240x16xf32, #tpu.memory_space<vmem_shared>> -> memref<640x16xf32, #tpu.memory_space<vmem_shared>>
      %dma_wait3A_13 = arith.constant 0 : i32
      %dma_wait3A_14 = tpu.memref_slice %arg3[%mul3A_2, %dma_wait3A_13] : memref<10240x16xf32, #tpu.memory_space<hbm>> -> memref<640x16xf32, #tpu.memory_space<hbm>>
      tpu.wait_dma2 semaphore(%run_scoped3A : memref<!tpu.dma_semaphore, #tpu.memory_space<semaphore_mem>>) src(%dma_wait3A_14 : memref<640x16xf32, #tpu.memory_space<hbm>>) dst(%dma_wait3A_12 : memref<640x16xf32, #tpu.memory_space<vmem_shared>>)
      tpu.yield
    }) : () -> ()
    "tpu.region"() ({
      %run_scoped3A = tpu.sem_alloc : memref<!tpu.dma_semaphore, #tpu.memory_space<semaphore_mem>>
      tpu.enqueue_dma source(%arg4 : memref<80x16xf32, #tpu.memory_space<hbm>>) target(%arg7 : memref<80x16xf32, #tpu.memory_space<vmem>>) target_semaphore(%run_scoped3A : memref<!tpu.dma_semaphore, #tpu.memory_space<semaphore_mem>>)
      tpu.wait_dma2 semaphore(%run_scoped3A : memref<!tpu.dma_semaphore, #tpu.memory_space<semaphore_mem>>) src(%arg4 : memref<80x16xf32, #tpu.memory_space<hbm>>) dst(%arg7 : memref<80x16xf32, #tpu.memory_space<vmem>>)
      tpu.yield
    }) : () -> ()
    "tpu.region"() ({
      %run_scoped3A = tpu.sem_alloc : memref<!tpu.dma_semaphore, #tpu.memory_space<semaphore_mem>>
      %dma_start3A = arith.constant 0 : i32
      %dma_start3A_9 = arith.constant 0 : i32
      %dma_start3A_10 = tpu.memref_slice %arg2[%add3A, %dma_start3A, %dma_start3A_9] : memref<32x125x80xi32, #tpu.memory_space<hbm>> -> memref<1x125x80xi32, #tpu.memory_space<hbm>>
      %dma_start3A_11 = tpu.memref_squeeze %dma_start3A_10 : memref<1x125x80xi32, #tpu.memory_space<hbm>> -> memref<125x80xi32, #tpu.memory_space<hbm>>
      %dma_start3A_12 = arith.constant 0 : i32
      %dma_start3A_13 = arith.constant 0 : i32
      %dma_start3A_14 = tpu.memref_slice %arg2[%add3A, %dma_start3A_12, %dma_start3A_13] : memref<32x125x80xi32, #tpu.memory_space<hbm>> -> memref<1x125x80xi32, #tpu.memory_space<hbm>>
      %dma_start3A_15 = tpu.memref_squeeze %dma_start3A_14 : memref<1x125x80xi32, #tpu.memory_space<hbm>> -> memref<125x80xi32, #tpu.memory_space<hbm>>
      tpu.enqueue_dma source(%dma_start3A_15 : memref<125x80xi32, #tpu.memory_space<hbm>>) target(%arg6 : memref<125x80xi32, #tpu.memory_space<vmem>>) target_semaphore(%run_scoped3A : memref<!tpu.dma_semaphore, #tpu.memory_space<semaphore_mem>>)
      %dma_wait3A = arith.constant 0 : i32
      %dma_wait3A_16 = arith.constant 0 : i32
      %dma_wait3A_17 = tpu.memref_slice %arg2[%add3A, %dma_wait3A, %dma_wait3A_16] : memref<32x125x80xi32, #tpu.memory_space<hbm>> -> memref<1x125x80xi32, #tpu.memory_space<hbm>>
      %dma_wait3A_18 = tpu.memref_squeeze %dma_wait3A_17 : memref<1x125x80xi32, #tpu.memory_space<hbm>> -> memref<125x80xi32, #tpu.memory_space<hbm>>
      %dma_wait3A_19 = arith.constant 0 : i32
      %dma_wait3A_20 = arith.constant 0 : i32
      %dma_wait3A_21 = tpu.memref_slice %arg2[%add3A, %dma_wait3A_19, %dma_wait3A_20] : memref<32x125x80xi32, #tpu.memory_space<hbm>> -> memref<1x125x80xi32, #tpu.memory_space<hbm>>
      %dma_wait3A_22 = tpu.memref_squeeze %dma_wait3A_21 : memref<1x125x80xi32, #tpu.memory_space<hbm>> -> memref<125x80xi32, #tpu.memory_space<hbm>>
      tpu.wait_dma2 semaphore(%run_scoped3A : memref<!tpu.dma_semaphore, #tpu.memory_space<semaphore_mem>>) src(%dma_wait3A_22 : memref<125x80xi32, #tpu.memory_space<hbm>>) dst(%arg6 : memref<125x80xi32, #tpu.memory_space<vmem>>)
      tpu.yield
    }) : () -> ()
    %barrier3A = arith.constant 0 : index
    tpu.barrier barrier_id(%barrier3A)
    %scan3A = arith.constant 0 : i32
    %scan3A_3 = arith.constant 0 : i32
    %scan3A_4 = arith.constant 125 : i32
    %scan3A_5 = arith.addi %scan3A_3, %scan3A_4 : i32
    %scan3A_6 = arith.constant 1 : i32
    scf.for %scan3A_9 = %scan3A_3 to %scan3A_5 step %scan3A_6  : i32 {
      "tpu.region"() ({
        %run_scoped3A = tpu.sem_alloc : memref<!tpu.dma_semaphore, #tpu.memory_space<semaphore_mem>>
        %dma_start3A = arith.constant 0 : i32
        %dma_start3A_10 = tpu.memref_slice %arg6[%scan3A_9, %dma_start3A] : memref<125x80xi32, #tpu.memory_space<vmem>> -> memref<1x80xi32, #tpu.memory_space<vmem>>
        %dma_start3A_11 = tpu.memref_squeeze %dma_start3A_10 : memref<1x80xi32, #tpu.memory_space<vmem>> -> memref<80xi32, #tpu.memory_space<vmem>>
        %dma_start3A_12 = arith.constant 0 : i32
        %dma_start3A_13 = arith.constant 0 : i32
        %dma_start3A_14 = tpu.memref_slice %arg8[%dma_start3A_12, %dma_start3A_13] : memref<10240x16xf32, #tpu.memory_space<vmem_shared>> -> memref<10240x16xf32, #tpu.memory_space<vmem_shared>>
        tpu.enqueue_indirect_dma source(%arg7 : memref<80x16xf32, #tpu.memory_space<vmem>>) target(%dma_start3A_14 : memref<10240x16xf32, #tpu.memory_space<vmem_shared>>) offsets(%dma_start3A_11 : memref<80xi32, #tpu.memory_space<vmem>>) semaphore(%run_scoped3A : memref<!tpu.dma_semaphore, #tpu.memory_space<semaphore_mem>>) {add = true}
        %dma_wait3A = arith.constant 0 : i32
        %dma_wait3A_15 = tpu.memref_slice %arg6[%scan3A_9, %dma_wait3A] : memref<125x80xi32, #tpu.memory_space<vmem>> -> memref<1x80xi32, #tpu.memory_space<vmem>>
        %dma_wait3A_16 = tpu.memref_squeeze %dma_wait3A_15 : memref<1x80xi32, #tpu.memory_space<vmem>> -> memref<80xi32, #tpu.memory_space<vmem>>
        %dma_wait3A_17 = arith.constant 0 : i32
        %dma_wait3A_18 = arith.constant 0 : i32
        %dma_wait3A_19 = tpu.memref_slice %arg8[%dma_wait3A_17, %dma_wait3A_18] : memref<10240x16xf32, #tpu.memory_space<vmem_shared>> -> memref<10240x16xf32, #tpu.memory_space<vmem_shared>>
        tpu.wait_indirect_dma semaphore(%run_scoped3A : memref<!tpu.dma_semaphore, #tpu.memory_space<semaphore_mem>>) src(%arg7 : memref<80x16xf32, #tpu.memory_space<vmem>>) dst(%dma_wait3A_19 : memref<10240x16xf32, #tpu.memory_space<vmem_shared>>)
        tpu.yield
      }) : () -> ()
    }
    %scan3A_7 = arith.constant 125 : i32
    %barrier3A_8 = arith.constant 0 : index
    tpu.barrier barrier_id(%barrier3A_8)
    "tpu.region"() ({
      %run_scoped3A = tpu.sem_alloc : memref<!tpu.dma_semaphore, #tpu.memory_space<semaphore_mem>>
      %dma_start3A = arith.constant 0 : i32
      %dma_start3A_9 = tpu.memref_slice %arg5[%arg0, %mul3A_2, %dma_start3A] : memref<2x10240x16xf32, #tpu.memory_space<hbm>> -> memref<1x640x16xf32, #tpu.memory_space<hbm>>
      %dma_start3A_10 = tpu.memref_squeeze %dma_start3A_9 : memref<1x640x16xf32, #tpu.memory_space<hbm>> -> memref<640x16xf32, #tpu.memory_space<hbm>>
      %dma_start3A_11 = arith.constant 0 : i32
      %dma_start3A_12 = tpu.memref_slice %arg8[%mul3A_2, %dma_start3A_11] : memref<10240x16xf32, #tpu.memory_space<vmem_shared>> -> memref<640x16xf32, #tpu.memory_space<vmem_shared>>
      tpu.enqueue_dma source(%dma_start3A_12 : memref<640x16xf32, #tpu.memory_space<vmem_shared>>) target(%dma_start3A_10 : memref<640x16xf32, #tpu.memory_space<hbm>>) target_semaphore(%run_scoped3A : memref<!tpu.dma_semaphore, #tpu.memory_space<semaphore_mem>>)
      %dma_wait3A = arith.constant 0 : i32
      %dma_wait3A_13 = tpu.memref_slice %arg5[%arg0, %mul3A_2, %dma_wait3A] : memref<2x10240x16xf32, #tpu.memory_space<hbm>> -> memref<1x640x16xf32, #tpu.memory_space<hbm>>
      %dma_wait3A_14 = tpu.memref_squeeze %dma_wait3A_13 : memref<1x640x16xf32, #tpu.memory_space<hbm>> -> memref<640x16xf32, #tpu.memory_space<hbm>>
      %dma_wait3A_15 = arith.constant 0 : i32
      %dma_wait3A_16 = tpu.memref_slice %arg8[%mul3A_2, %dma_wait3A_15] : memref<10240x16xf32, #tpu.memory_space<vmem_shared>> -> memref<640x16xf32, #tpu.memory_space<vmem_shared>>
      tpu.wait_dma2 semaphore(%run_scoped3A : memref<!tpu.dma_semaphore, #tpu.memory_space<semaphore_mem>>) src(%dma_wait3A_16 : memref<640x16xf32, #tpu.memory_space<vmem_shared>>) dst(%dma_wait3A_14 : memref<640x16xf32, #tpu.memory_space<hbm>>)
      tpu.yield
    }) : () -> ()
    return
  }
}

#map = affine_map<(d0, d1) -> (0, 0)>
#map1 = affine_map<(d0, d1) -> (0, 0, 0)>
module attributes {stable_mosaic.version = 14 : i64} {
  func.func @_agg(%arg0: i32, %arg1: i32, %arg2: memref<10240x128xf32, #tpu.memory_space<hbm>>, %arg3: memref<32x125x80xi32, #tpu.memory_space<hbm>>, %arg4: memref<32x125x80xi32, #tpu.memory_space<hbm>>, %arg5: memref<10240x128xf32, #tpu.memory_space<hbm>>, %arg6: memref<2x10240x128xf32, #tpu.memory_space<hbm>>, %arg7: memref<125x80xi32, #tpu.memory_space<vmem>>, %arg8: memref<125x80xi32, #tpu.memory_space<vmem>>, %arg9: memref<80x128xf32, #tpu.memory_space<vmem>>, %arg10: memref<10240x128xf32, #tpu.memory_space<vmem_shared>>, %arg11: memref<!tpu.dma_semaphore, #tpu.memory_space<semaphore_mem>>) attributes {dimension_semantics = [#tpu.dimension_semantics<core_parallel>, #tpu.dimension_semantics<subcore_parallel>], iteration_bounds = array<i64: 2, 16>, scalar_prefetch = 0 : i64, scratch_operands = 5 : i64, tpu.core_type = #tpu.core_type<sc_vector_subcore>, window_params = [{transform_indices = #map}, {transform_indices = #map1}, {transform_indices = #map1}, {transform_indices = #map}, {transform_indices = #map1}]} {
    %mul3A = arith.constant 2 : i32
    %mul3A_0 = arith.muli %arg1, %mul3A : i32
    %add3A = arith.addi %mul3A_0, %arg0 : i32
    %mul3A_1 = arith.constant 640 : i32
    %mul3A_2 = arith.muli %arg1, %mul3A_1 : i32
    "tpu.region"() ({
      %run_scoped3A = tpu.sem_alloc : memref<!tpu.dma_semaphore, #tpu.memory_space<semaphore_mem>>
      %dma_start3A = arith.constant 0 : i32
      %dma_start3A_9 = tpu.memref_slice %arg10[%mul3A_2, %dma_start3A] : memref<10240x128xf32, #tpu.memory_space<vmem_shared>> -> memref<640x128xf32, #tpu.memory_space<vmem_shared>>
      %dma_start3A_10 = arith.constant 0 : i32
      %dma_start3A_11 = tpu.memref_slice %arg5[%mul3A_2, %dma_start3A_10] : memref<10240x128xf32, #tpu.memory_space<hbm>> -> memref<640x128xf32, #tpu.memory_space<hbm>>
      tpu.enqueue_dma source(%dma_start3A_11 : memref<640x128xf32, #tpu.memory_space<hbm>>) target(%dma_start3A_9 : memref<640x128xf32, #tpu.memory_space<vmem_shared>>) target_semaphore(%run_scoped3A : memref<!tpu.dma_semaphore, #tpu.memory_space<semaphore_mem>>)
      %dma_wait3A = arith.constant 0 : i32
      %dma_wait3A_12 = tpu.memref_slice %arg10[%mul3A_2, %dma_wait3A] : memref<10240x128xf32, #tpu.memory_space<vmem_shared>> -> memref<640x128xf32, #tpu.memory_space<vmem_shared>>
      %dma_wait3A_13 = arith.constant 0 : i32
      %dma_wait3A_14 = tpu.memref_slice %arg5[%mul3A_2, %dma_wait3A_13] : memref<10240x128xf32, #tpu.memory_space<hbm>> -> memref<640x128xf32, #tpu.memory_space<hbm>>
      tpu.wait_dma2 semaphore(%run_scoped3A : memref<!tpu.dma_semaphore, #tpu.memory_space<semaphore_mem>>) src(%dma_wait3A_14 : memref<640x128xf32, #tpu.memory_space<hbm>>) dst(%dma_wait3A_12 : memref<640x128xf32, #tpu.memory_space<vmem_shared>>)
      tpu.yield
    }) : () -> ()
    "tpu.region"() ({
      %run_scoped3A = tpu.sem_alloc : memref<!tpu.dma_semaphore, #tpu.memory_space<semaphore_mem>>
      %dma_start3A = arith.constant 0 : i32
      %dma_start3A_9 = arith.constant 0 : i32
      %dma_start3A_10 = tpu.memref_slice %arg3[%add3A, %dma_start3A, %dma_start3A_9] : memref<32x125x80xi32, #tpu.memory_space<hbm>> -> memref<1x125x80xi32, #tpu.memory_space<hbm>>
      %dma_start3A_11 = tpu.memref_squeeze %dma_start3A_10 : memref<1x125x80xi32, #tpu.memory_space<hbm>> -> memref<125x80xi32, #tpu.memory_space<hbm>>
      %dma_start3A_12 = arith.constant 0 : i32
      %dma_start3A_13 = arith.constant 0 : i32
      %dma_start3A_14 = tpu.memref_slice %arg3[%add3A, %dma_start3A_12, %dma_start3A_13] : memref<32x125x80xi32, #tpu.memory_space<hbm>> -> memref<1x125x80xi32, #tpu.memory_space<hbm>>
      %dma_start3A_15 = tpu.memref_squeeze %dma_start3A_14 : memref<1x125x80xi32, #tpu.memory_space<hbm>> -> memref<125x80xi32, #tpu.memory_space<hbm>>
      tpu.enqueue_dma source(%dma_start3A_15 : memref<125x80xi32, #tpu.memory_space<hbm>>) target(%arg7 : memref<125x80xi32, #tpu.memory_space<vmem>>) target_semaphore(%run_scoped3A : memref<!tpu.dma_semaphore, #tpu.memory_space<semaphore_mem>>)
      %dma_wait3A = arith.constant 0 : i32
      %dma_wait3A_16 = arith.constant 0 : i32
      %dma_wait3A_17 = tpu.memref_slice %arg3[%add3A, %dma_wait3A, %dma_wait3A_16] : memref<32x125x80xi32, #tpu.memory_space<hbm>> -> memref<1x125x80xi32, #tpu.memory_space<hbm>>
      %dma_wait3A_18 = tpu.memref_squeeze %dma_wait3A_17 : memref<1x125x80xi32, #tpu.memory_space<hbm>> -> memref<125x80xi32, #tpu.memory_space<hbm>>
      %dma_wait3A_19 = arith.constant 0 : i32
      %dma_wait3A_20 = arith.constant 0 : i32
      %dma_wait3A_21 = tpu.memref_slice %arg3[%add3A, %dma_wait3A_19, %dma_wait3A_20] : memref<32x125x80xi32, #tpu.memory_space<hbm>> -> memref<1x125x80xi32, #tpu.memory_space<hbm>>
      %dma_wait3A_22 = tpu.memref_squeeze %dma_wait3A_21 : memref<1x125x80xi32, #tpu.memory_space<hbm>> -> memref<125x80xi32, #tpu.memory_space<hbm>>
      tpu.wait_dma2 semaphore(%run_scoped3A : memref<!tpu.dma_semaphore, #tpu.memory_space<semaphore_mem>>) src(%dma_wait3A_22 : memref<125x80xi32, #tpu.memory_space<hbm>>) dst(%arg7 : memref<125x80xi32, #tpu.memory_space<vmem>>)
      tpu.yield
    }) : () -> ()
    "tpu.region"() ({
      %run_scoped3A = tpu.sem_alloc : memref<!tpu.dma_semaphore, #tpu.memory_space<semaphore_mem>>
      %dma_start3A = arith.constant 0 : i32
      %dma_start3A_9 = arith.constant 0 : i32
      %dma_start3A_10 = tpu.memref_slice %arg4[%add3A, %dma_start3A, %dma_start3A_9] : memref<32x125x80xi32, #tpu.memory_space<hbm>> -> memref<1x125x80xi32, #tpu.memory_space<hbm>>
      %dma_start3A_11 = tpu.memref_squeeze %dma_start3A_10 : memref<1x125x80xi32, #tpu.memory_space<hbm>> -> memref<125x80xi32, #tpu.memory_space<hbm>>
      %dma_start3A_12 = arith.constant 0 : i32
      %dma_start3A_13 = arith.constant 0 : i32
      %dma_start3A_14 = tpu.memref_slice %arg4[%add3A, %dma_start3A_12, %dma_start3A_13] : memref<32x125x80xi32, #tpu.memory_space<hbm>> -> memref<1x125x80xi32, #tpu.memory_space<hbm>>
      %dma_start3A_15 = tpu.memref_squeeze %dma_start3A_14 : memref<1x125x80xi32, #tpu.memory_space<hbm>> -> memref<125x80xi32, #tpu.memory_space<hbm>>
      tpu.enqueue_dma source(%dma_start3A_15 : memref<125x80xi32, #tpu.memory_space<hbm>>) target(%arg8 : memref<125x80xi32, #tpu.memory_space<vmem>>) target_semaphore(%run_scoped3A : memref<!tpu.dma_semaphore, #tpu.memory_space<semaphore_mem>>)
      %dma_wait3A = arith.constant 0 : i32
      %dma_wait3A_16 = arith.constant 0 : i32
      %dma_wait3A_17 = tpu.memref_slice %arg4[%add3A, %dma_wait3A, %dma_wait3A_16] : memref<32x125x80xi32, #tpu.memory_space<hbm>> -> memref<1x125x80xi32, #tpu.memory_space<hbm>>
      %dma_wait3A_18 = tpu.memref_squeeze %dma_wait3A_17 : memref<1x125x80xi32, #tpu.memory_space<hbm>> -> memref<125x80xi32, #tpu.memory_space<hbm>>
      %dma_wait3A_19 = arith.constant 0 : i32
      %dma_wait3A_20 = arith.constant 0 : i32
      %dma_wait3A_21 = tpu.memref_slice %arg4[%add3A, %dma_wait3A_19, %dma_wait3A_20] : memref<32x125x80xi32, #tpu.memory_space<hbm>> -> memref<1x125x80xi32, #tpu.memory_space<hbm>>
      %dma_wait3A_22 = tpu.memref_squeeze %dma_wait3A_21 : memref<1x125x80xi32, #tpu.memory_space<hbm>> -> memref<125x80xi32, #tpu.memory_space<hbm>>
      tpu.wait_dma2 semaphore(%run_scoped3A : memref<!tpu.dma_semaphore, #tpu.memory_space<semaphore_mem>>) src(%dma_wait3A_22 : memref<125x80xi32, #tpu.memory_space<hbm>>) dst(%arg8 : memref<125x80xi32, #tpu.memory_space<vmem>>)
      tpu.yield
    }) : () -> ()
    %barrier3A = arith.constant 0 : index
    tpu.barrier barrier_id(%barrier3A)
    %scan3A = arith.constant 0 : i32
    %scan3A_3 = arith.constant 0 : i32
    %scan3A_4 = arith.constant 125 : i32
    %scan3A_5 = arith.addi %scan3A_3, %scan3A_4 : i32
    %scan3A_6 = arith.constant 1 : i32
    scf.for %scan3A_9 = %scan3A_3 to %scan3A_5 step %scan3A_6  : i32 {
      %dma_start3A = arith.constant 0 : i32
      %dma_start3A_10 = tpu.memref_slice %arg7[%scan3A_9, %dma_start3A] : memref<125x80xi32, #tpu.memory_space<vmem>> -> memref<1x80xi32, #tpu.memory_space<vmem>>
      %dma_start3A_11 = tpu.memref_squeeze %dma_start3A_10 : memref<1x80xi32, #tpu.memory_space<vmem>> -> memref<80xi32, #tpu.memory_space<vmem>>
      %dma_start3A_12 = arith.constant 0 : i32
      %dma_start3A_13 = arith.constant 0 : i32
      %dma_start3A_14 = tpu.memref_slice %arg2[%dma_start3A_12, %dma_start3A_13] : memref<10240x128xf32, #tpu.memory_space<hbm>> -> memref<10240x128xf32, #tpu.memory_space<hbm>>
      tpu.enqueue_indirect_dma source(%dma_start3A_14 : memref<10240x128xf32, #tpu.memory_space<hbm>>) target(%arg9 : memref<80x128xf32, #tpu.memory_space<vmem>>) offsets(%dma_start3A_11 : memref<80xi32, #tpu.memory_space<vmem>>) semaphore(%arg11 : memref<!tpu.dma_semaphore, #tpu.memory_space<semaphore_mem>>)
      %dma_wait3A = arith.constant 0 : i32
      %dma_wait3A_15 = tpu.memref_slice %arg7[%scan3A_9, %dma_wait3A] : memref<125x80xi32, #tpu.memory_space<vmem>> -> memref<1x80xi32, #tpu.memory_space<vmem>>
      %dma_wait3A_16 = tpu.memref_squeeze %dma_wait3A_15 : memref<1x80xi32, #tpu.memory_space<vmem>> -> memref<80xi32, #tpu.memory_space<vmem>>
      %dma_wait3A_17 = arith.constant 0 : i32
      %dma_wait3A_18 = arith.constant 0 : i32
      %dma_wait3A_19 = tpu.memref_slice %arg2[%dma_wait3A_17, %dma_wait3A_18] : memref<10240x128xf32, #tpu.memory_space<hbm>> -> memref<10240x128xf32, #tpu.memory_space<hbm>>
      tpu.wait_indirect_dma semaphore(%arg11 : memref<!tpu.dma_semaphore, #tpu.memory_space<semaphore_mem>>) src(%dma_wait3A_19 : memref<10240x128xf32, #tpu.memory_space<hbm>>) dst(%arg9 : memref<80x128xf32, #tpu.memory_space<vmem>>)
      "tpu.region"() ({
        %run_scoped3A = tpu.sem_alloc : memref<!tpu.dma_semaphore, #tpu.memory_space<semaphore_mem>>
        %dma_start3A_20 = arith.constant 0 : i32
        %dma_start3A_21 = tpu.memref_slice %arg8[%scan3A_9, %dma_start3A_20] : memref<125x80xi32, #tpu.memory_space<vmem>> -> memref<1x80xi32, #tpu.memory_space<vmem>>
        %dma_start3A_22 = tpu.memref_squeeze %dma_start3A_21 : memref<1x80xi32, #tpu.memory_space<vmem>> -> memref<80xi32, #tpu.memory_space<vmem>>
        %dma_start3A_23 = arith.constant 0 : i32
        %dma_start3A_24 = arith.constant 0 : i32
        %dma_start3A_25 = tpu.memref_slice %arg10[%dma_start3A_23, %dma_start3A_24] : memref<10240x128xf32, #tpu.memory_space<vmem_shared>> -> memref<10240x128xf32, #tpu.memory_space<vmem_shared>>
        tpu.enqueue_indirect_dma source(%arg9 : memref<80x128xf32, #tpu.memory_space<vmem>>) target(%dma_start3A_25 : memref<10240x128xf32, #tpu.memory_space<vmem_shared>>) offsets(%dma_start3A_22 : memref<80xi32, #tpu.memory_space<vmem>>) semaphore(%run_scoped3A : memref<!tpu.dma_semaphore, #tpu.memory_space<semaphore_mem>>) {add = true}
        %dma_wait3A_26 = arith.constant 0 : i32
        %dma_wait3A_27 = tpu.memref_slice %arg8[%scan3A_9, %dma_wait3A_26] : memref<125x80xi32, #tpu.memory_space<vmem>> -> memref<1x80xi32, #tpu.memory_space<vmem>>
        %dma_wait3A_28 = tpu.memref_squeeze %dma_wait3A_27 : memref<1x80xi32, #tpu.memory_space<vmem>> -> memref<80xi32, #tpu.memory_space<vmem>>
        %dma_wait3A_29 = arith.constant 0 : i32
        %dma_wait3A_30 = arith.constant 0 : i32
        %dma_wait3A_31 = tpu.memref_slice %arg10[%dma_wait3A_29, %dma_wait3A_30] : memref<10240x128xf32, #tpu.memory_space<vmem_shared>> -> memref<10240x128xf32, #tpu.memory_space<vmem_shared>>
        tpu.wait_indirect_dma semaphore(%run_scoped3A : memref<!tpu.dma_semaphore, #tpu.memory_space<semaphore_mem>>) src(%arg9 : memref<80x128xf32, #tpu.memory_space<vmem>>) dst(%dma_wait3A_31 : memref<10240x128xf32, #tpu.memory_space<vmem_shared>>)
        tpu.yield
      }) : () -> ()
    }
    %scan3A_7 = arith.constant 125 : i32
    %barrier3A_8 = arith.constant 0 : index
    tpu.barrier barrier_id(%barrier3A_8)
    "tpu.region"() ({
      %run_scoped3A = tpu.sem_alloc : memref<!tpu.dma_semaphore, #tpu.memory_space<semaphore_mem>>
      %dma_start3A = arith.constant 0 : i32
      %dma_start3A_9 = tpu.memref_slice %arg6[%arg0, %mul3A_2, %dma_start3A] : memref<2x10240x128xf32, #tpu.memory_space<hbm>> -> memref<1x640x128xf32, #tpu.memory_space<hbm>>
      %dma_start3A_10 = tpu.memref_squeeze %dma_start3A_9 : memref<1x640x128xf32, #tpu.memory_space<hbm>> -> memref<640x128xf32, #tpu.memory_space<hbm>>
      %dma_start3A_11 = arith.constant 0 : i32
      %dma_start3A_12 = tpu.memref_slice %arg10[%mul3A_2, %dma_start3A_11] : memref<10240x128xf32, #tpu.memory_space<vmem_shared>> -> memref<640x128xf32, #tpu.memory_space<vmem_shared>>
      tpu.enqueue_dma source(%dma_start3A_12 : memref<640x128xf32, #tpu.memory_space<vmem_shared>>) target(%dma_start3A_10 : memref<640x128xf32, #tpu.memory_space<hbm>>) target_semaphore(%run_scoped3A : memref<!tpu.dma_semaphore, #tpu.memory_space<semaphore_mem>>)
      %dma_wait3A = arith.constant 0 : i32
      %dma_wait3A_13 = tpu.memref_slice %arg6[%arg0, %mul3A_2, %dma_wait3A] : memref<2x10240x128xf32, #tpu.memory_space<hbm>> -> memref<1x640x128xf32, #tpu.memory_space<hbm>>
      %dma_wait3A_14 = tpu.memref_squeeze %dma_wait3A_13 : memref<1x640x128xf32, #tpu.memory_space<hbm>> -> memref<640x128xf32, #tpu.memory_space<hbm>>
      %dma_wait3A_15 = arith.constant 0 : i32
      %dma_wait3A_16 = tpu.memref_slice %arg10[%mul3A_2, %dma_wait3A_15] : memref<10240x128xf32, #tpu.memory_space<vmem_shared>> -> memref<640x128xf32, #tpu.memory_space<vmem_shared>>
      tpu.wait_dma2 semaphore(%run_scoped3A : memref<!tpu.dma_semaphore, #tpu.memory_space<semaphore_mem>>) src(%dma_wait3A_16 : memref<640x128xf32, #tpu.memory_space<vmem_shared>>) dst(%dma_wait3A_14 : memref<640x128xf32, #tpu.memory_space<hbm>>)
      tpu.yield
    }) : () -> ()
    return
  }
}

#map = affine_map<(d0, d1) -> (0, 0)>
#map1 = affine_map<(d0, d1) -> (0, 0, 0)>
module attributes {stable_mosaic.version = 14 : i64} {
  func.func @_agg(%arg0: i32, %arg1: i32, %arg2: memref<10240x128xf32, #tpu.memory_space<hbm>>, %arg3: memref<32x125x80xi32, #tpu.memory_space<hbm>>, %arg4: memref<32x125x80xi32, #tpu.memory_space<hbm>>, %arg5: memref<10240x128xf32, #tpu.memory_space<hbm>>, %arg6: memref<2x10240x128xf32, #tpu.memory_space<hbm>>, %arg7: memref<125x80xi32, #tpu.memory_space<vmem>>, %arg8: memref<125x80xi32, #tpu.memory_space<vmem>>, %arg9: memref<80x128xf32, #tpu.memory_space<vmem>>, %arg10: memref<10240x128xf32, #tpu.memory_space<vmem_shared>>, %arg11: memref<!tpu.dma_semaphore, #tpu.memory_space<semaphore_mem>>) attributes {dimension_semantics = [#tpu.dimension_semantics<core_parallel>, #tpu.dimension_semantics<subcore_parallel>], iteration_bounds = array<i64: 2, 16>, scalar_prefetch = 0 : i64, scratch_operands = 5 : i64, tpu.core_type = #tpu.core_type<sc_vector_subcore>, window_params = [{transform_indices = #map}, {transform_indices = #map1}, {transform_indices = #map1}, {transform_indices = #map}, {transform_indices = #map1}]} {
    %mul3A = arith.constant 2 : i32
    %mul3A_0 = arith.muli %arg1, %mul3A : i32
    %add3A = arith.addi %mul3A_0, %arg0 : i32
    %mul3A_1 = arith.constant 640 : i32
    %mul3A_2 = arith.muli %arg1, %mul3A_1 : i32
    "tpu.region"() ({
      %run_scoped3A = tpu.sem_alloc : memref<!tpu.dma_semaphore, #tpu.memory_space<semaphore_mem>>
      %dma_start3A = arith.constant 0 : i32
      %dma_start3A_9 = tpu.memref_slice %arg10[%mul3A_2, %dma_start3A] : memref<10240x128xf32, #tpu.memory_space<vmem_shared>> -> memref<640x128xf32, #tpu.memory_space<vmem_shared>>
      %dma_start3A_10 = arith.constant 0 : i32
      %dma_start3A_11 = tpu.memref_slice %arg5[%mul3A_2, %dma_start3A_10] : memref<10240x128xf32, #tpu.memory_space<hbm>> -> memref<640x128xf32, #tpu.memory_space<hbm>>
      tpu.enqueue_dma source(%dma_start3A_11 : memref<640x128xf32, #tpu.memory_space<hbm>>) target(%dma_start3A_9 : memref<640x128xf32, #tpu.memory_space<vmem_shared>>) target_semaphore(%run_scoped3A : memref<!tpu.dma_semaphore, #tpu.memory_space<semaphore_mem>>)
      %dma_wait3A = arith.constant 0 : i32
      %dma_wait3A_12 = tpu.memref_slice %arg10[%mul3A_2, %dma_wait3A] : memref<10240x128xf32, #tpu.memory_space<vmem_shared>> -> memref<640x128xf32, #tpu.memory_space<vmem_shared>>
      %dma_wait3A_13 = arith.constant 0 : i32
      %dma_wait3A_14 = tpu.memref_slice %arg5[%mul3A_2, %dma_wait3A_13] : memref<10240x128xf32, #tpu.memory_space<hbm>> -> memref<640x128xf32, #tpu.memory_space<hbm>>
      tpu.wait_dma2 semaphore(%run_scoped3A : memref<!tpu.dma_semaphore, #tpu.memory_space<semaphore_mem>>) src(%dma_wait3A_14 : memref<640x128xf32, #tpu.memory_space<hbm>>) dst(%dma_wait3A_12 : memref<640x128xf32, #tpu.memory_space<vmem_shared>>)
      tpu.yield
    }) : () -> ()
    "tpu.region"() ({
      %run_scoped3A = tpu.sem_alloc : memref<!tpu.dma_semaphore, #tpu.memory_space<semaphore_mem>>
      %dma_start3A = arith.constant 0 : i32
      %dma_start3A_9 = arith.constant 0 : i32
      %dma_start3A_10 = tpu.memref_slice %arg3[%add3A, %dma_start3A, %dma_start3A_9] : memref<32x125x80xi32, #tpu.memory_space<hbm>> -> memref<1x125x80xi32, #tpu.memory_space<hbm>>
      %dma_start3A_11 = tpu.memref_squeeze %dma_start3A_10 : memref<1x125x80xi32, #tpu.memory_space<hbm>> -> memref<125x80xi32, #tpu.memory_space<hbm>>
      %dma_start3A_12 = arith.constant 0 : i32
      %dma_start3A_13 = arith.constant 0 : i32
      %dma_start3A_14 = tpu.memref_slice %arg3[%add3A, %dma_start3A_12, %dma_start3A_13] : memref<32x125x80xi32, #tpu.memory_space<hbm>> -> memref<1x125x80xi32, #tpu.memory_space<hbm>>
      %dma_start3A_15 = tpu.memref_squeeze %dma_start3A_14 : memref<1x125x80xi32, #tpu.memory_space<hbm>> -> memref<125x80xi32, #tpu.memory_space<hbm>>
      tpu.enqueue_dma source(%dma_start3A_15 : memref<125x80xi32, #tpu.memory_space<hbm>>) target(%arg7 : memref<125x80xi32, #tpu.memory_space<vmem>>) target_semaphore(%run_scoped3A : memref<!tpu.dma_semaphore, #tpu.memory_space<semaphore_mem>>)
      %dma_wait3A = arith.constant 0 : i32
      %dma_wait3A_16 = arith.constant 0 : i32
      %dma_wait3A_17 = tpu.memref_slice %arg3[%add3A, %dma_wait3A, %dma_wait3A_16] : memref<32x125x80xi32, #tpu.memory_space<hbm>> -> memref<1x125x80xi32, #tpu.memory_space<hbm>>
      %dma_wait3A_18 = tpu.memref_squeeze %dma_wait3A_17 : memref<1x125x80xi32, #tpu.memory_space<hbm>> -> memref<125x80xi32, #tpu.memory_space<hbm>>
      %dma_wait3A_19 = arith.constant 0 : i32
      %dma_wait3A_20 = arith.constant 0 : i32
      %dma_wait3A_21 = tpu.memref_slice %arg3[%add3A, %dma_wait3A_19, %dma_wait3A_20] : memref<32x125x80xi32, #tpu.memory_space<hbm>> -> memref<1x125x80xi32, #tpu.memory_space<hbm>>
      %dma_wait3A_22 = tpu.memref_squeeze %dma_wait3A_21 : memref<1x125x80xi32, #tpu.memory_space<hbm>> -> memref<125x80xi32, #tpu.memory_space<hbm>>
      tpu.wait_dma2 semaphore(%run_scoped3A : memref<!tpu.dma_semaphore, #tpu.memory_space<semaphore_mem>>) src(%dma_wait3A_22 : memref<125x80xi32, #tpu.memory_space<hbm>>) dst(%arg7 : memref<125x80xi32, #tpu.memory_space<vmem>>)
      tpu.yield
    }) : () -> ()
    "tpu.region"() ({
      %run_scoped3A = tpu.sem_alloc : memref<!tpu.dma_semaphore, #tpu.memory_space<semaphore_mem>>
      %dma_start3A = arith.constant 0 : i32
      %dma_start3A_9 = arith.constant 0 : i32
      %dma_start3A_10 = tpu.memref_slice %arg4[%add3A, %dma_start3A, %dma_start3A_9] : memref<32x125x80xi32, #tpu.memory_space<hbm>> -> memref<1x125x80xi32, #tpu.memory_space<hbm>>
      %dma_start3A_11 = tpu.memref_squeeze %dma_start3A_10 : memref<1x125x80xi32, #tpu.memory_space<hbm>> -> memref<125x80xi32, #tpu.memory_space<hbm>>
      %dma_start3A_12 = arith.constant 0 : i32
      %dma_start3A_13 = arith.constant 0 : i32
      %dma_start3A_14 = tpu.memref_slice %arg4[%add3A, %dma_start3A_12, %dma_start3A_13] : memref<32x125x80xi32, #tpu.memory_space<hbm>> -> memref<1x125x80xi32, #tpu.memory_space<hbm>>
      %dma_start3A_15 = tpu.memref_squeeze %dma_start3A_14 : memref<1x125x80xi32, #tpu.memory_space<hbm>> -> memref<125x80xi32, #tpu.memory_space<hbm>>
      tpu.enqueue_dma source(%dma_start3A_15 : memref<125x80xi32, #tpu.memory_space<hbm>>) target(%arg8 : memref<125x80xi32, #tpu.memory_space<vmem>>) target_semaphore(%run_scoped3A : memref<!tpu.dma_semaphore, #tpu.memory_space<semaphore_mem>>)
      %dma_wait3A = arith.constant 0 : i32
      %dma_wait3A_16 = arith.constant 0 : i32
      %dma_wait3A_17 = tpu.memref_slice %arg4[%add3A, %dma_wait3A, %dma_wait3A_16] : memref<32x125x80xi32, #tpu.memory_space<hbm>> -> memref<1x125x80xi32, #tpu.memory_space<hbm>>
      %dma_wait3A_18 = tpu.memref_squeeze %dma_wait3A_17 : memref<1x125x80xi32, #tpu.memory_space<hbm>> -> memref<125x80xi32, #tpu.memory_space<hbm>>
      %dma_wait3A_19 = arith.constant 0 : i32
      %dma_wait3A_20 = arith.constant 0 : i32
      %dma_wait3A_21 = tpu.memref_slice %arg4[%add3A, %dma_wait3A_19, %dma_wait3A_20] : memref<32x125x80xi32, #tpu.memory_space<hbm>> -> memref<1x125x80xi32, #tpu.memory_space<hbm>>
      %dma_wait3A_22 = tpu.memref_squeeze %dma_wait3A_21 : memref<1x125x80xi32, #tpu.memory_space<hbm>> -> memref<125x80xi32, #tpu.memory_space<hbm>>
      tpu.wait_dma2 semaphore(%run_scoped3A : memref<!tpu.dma_semaphore, #tpu.memory_space<semaphore_mem>>) src(%dma_wait3A_22 : memref<125x80xi32, #tpu.memory_space<hbm>>) dst(%arg8 : memref<125x80xi32, #tpu.memory_space<vmem>>)
      tpu.yield
    }) : () -> ()
    %barrier3A = arith.constant 0 : index
    tpu.barrier barrier_id(%barrier3A)
    %scan3A = arith.constant 0 : i32
    %scan3A_3 = arith.constant 0 : i32
    %scan3A_4 = arith.constant 125 : i32
    %scan3A_5 = arith.addi %scan3A_3, %scan3A_4 : i32
    %scan3A_6 = arith.constant 1 : i32
    scf.for %scan3A_9 = %scan3A_3 to %scan3A_5 step %scan3A_6  : i32 {
      %dma_start3A = arith.constant 0 : i32
      %dma_start3A_10 = tpu.memref_slice %arg7[%scan3A_9, %dma_start3A] : memref<125x80xi32, #tpu.memory_space<vmem>> -> memref<1x80xi32, #tpu.memory_space<vmem>>
      %dma_start3A_11 = tpu.memref_squeeze %dma_start3A_10 : memref<1x80xi32, #tpu.memory_space<vmem>> -> memref<80xi32, #tpu.memory_space<vmem>>
      %dma_start3A_12 = arith.constant 0 : i32
      %dma_start3A_13 = arith.constant 0 : i32
      %dma_start3A_14 = tpu.memref_slice %arg2[%dma_start3A_12, %dma_start3A_13] : memref<10240x128xf32, #tpu.memory_space<hbm>> -> memref<10240x128xf32, #tpu.memory_space<hbm>>
      tpu.enqueue_indirect_dma source(%dma_start3A_14 : memref<10240x128xf32, #tpu.memory_space<hbm>>) target(%arg9 : memref<80x128xf32, #tpu.memory_space<vmem>>) offsets(%dma_start3A_11 : memref<80xi32, #tpu.memory_space<vmem>>) semaphore(%arg11 : memref<!tpu.dma_semaphore, #tpu.memory_space<semaphore_mem>>)
      %dma_wait3A = arith.constant 0 : i32
      %dma_wait3A_15 = tpu.memref_slice %arg7[%scan3A_9, %dma_wait3A] : memref<125x80xi32, #tpu.memory_space<vmem>> -> memref<1x80xi32, #tpu.memory_space<vmem>>
      %dma_wait3A_16 = tpu.memref_squeeze %dma_wait3A_15 : memref<1x80xi32, #tpu.memory_space<vmem>> -> memref<80xi32, #tpu.memory_space<vmem>>
      %dma_wait3A_17 = arith.constant 0 : i32
      %dma_wait3A_18 = arith.constant 0 : i32
      %dma_wait3A_19 = tpu.memref_slice %arg2[%dma_wait3A_17, %dma_wait3A_18] : memref<10240x128xf32, #tpu.memory_space<hbm>> -> memref<10240x128xf32, #tpu.memory_space<hbm>>
      tpu.wait_indirect_dma semaphore(%arg11 : memref<!tpu.dma_semaphore, #tpu.memory_space<semaphore_mem>>) src(%dma_wait3A_19 : memref<10240x128xf32, #tpu.memory_space<hbm>>) dst(%arg9 : memref<80x128xf32, #tpu.memory_space<vmem>>)
      "tpu.region"() ({
        %run_scoped3A = tpu.sem_alloc : memref<!tpu.dma_semaphore, #tpu.memory_space<semaphore_mem>>
        %dma_start3A_20 = arith.constant 0 : i32
        %dma_start3A_21 = tpu.memref_slice %arg8[%scan3A_9, %dma_start3A_20] : memref<125x80xi32, #tpu.memory_space<vmem>> -> memref<1x80xi32, #tpu.memory_space<vmem>>
        %dma_start3A_22 = tpu.memref_squeeze %dma_start3A_21 : memref<1x80xi32, #tpu.memory_space<vmem>> -> memref<80xi32, #tpu.memory_space<vmem>>
        %dma_start3A_23 = arith.constant 0 : i32
        %dma_start3A_24 = arith.constant 0 : i32
        %dma_start3A_25 = tpu.memref_slice %arg10[%dma_start3A_23, %dma_start3A_24] : memref<10240x128xf32, #tpu.memory_space<vmem_shared>> -> memref<10240x128xf32, #tpu.memory_space<vmem_shared>>
        tpu.enqueue_indirect_dma source(%arg9 : memref<80x128xf32, #tpu.memory_space<vmem>>) target(%dma_start3A_25 : memref<10240x128xf32, #tpu.memory_space<vmem_shared>>) offsets(%dma_start3A_22 : memref<80xi32, #tpu.memory_space<vmem>>) semaphore(%run_scoped3A : memref<!tpu.dma_semaphore, #tpu.memory_space<semaphore_mem>>) {add = true}
        %dma_wait3A_26 = arith.constant 0 : i32
        %dma_wait3A_27 = tpu.memref_slice %arg8[%scan3A_9, %dma_wait3A_26] : memref<125x80xi32, #tpu.memory_space<vmem>> -> memref<1x80xi32, #tpu.memory_space<vmem>>
        %dma_wait3A_28 = tpu.memref_squeeze %dma_wait3A_27 : memref<1x80xi32, #tpu.memory_space<vmem>> -> memref<80xi32, #tpu.memory_space<vmem>>
        %dma_wait3A_29 = arith.constant 0 : i32
        %dma_wait3A_30 = arith.constant 0 : i32
        %dma_wait3A_31 = tpu.memref_slice %arg10[%dma_wait3A_29, %dma_wait3A_30] : memref<10240x128xf32, #tpu.memory_space<vmem_shared>> -> memref<10240x128xf32, #tpu.memory_space<vmem_shared>>
        tpu.wait_indirect_dma semaphore(%run_scoped3A : memref<!tpu.dma_semaphore, #tpu.memory_space<semaphore_mem>>) src(%arg9 : memref<80x128xf32, #tpu.memory_space<vmem>>) dst(%dma_wait3A_31 : memref<10240x128xf32, #tpu.memory_space<vmem_shared>>)
        tpu.yield
      }) : () -> ()
    }
    %scan3A_7 = arith.constant 125 : i32
    %barrier3A_8 = arith.constant 0 : index
    tpu.barrier barrier_id(%barrier3A_8)
    "tpu.region"() ({
      %run_scoped3A = tpu.sem_alloc : memref<!tpu.dma_semaphore, #tpu.memory_space<semaphore_mem>>
      %dma_start3A = arith.constant 0 : i32
      %dma_start3A_9 = tpu.memref_slice %arg6[%arg0, %mul3A_2, %dma_start3A] : memref<2x10240x128xf32, #tpu.memory_space<hbm>> -> memref<1x640x128xf32, #tpu.memory_space<hbm>>
      %dma_start3A_10 = tpu.memref_squeeze %dma_start3A_9 : memref<1x640x128xf32, #tpu.memory_space<hbm>> -> memref<640x128xf32, #tpu.memory_space<hbm>>
      %dma_start3A_11 = arith.constant 0 : i32
      %dma_start3A_12 = tpu.memref_slice %arg10[%mul3A_2, %dma_start3A_11] : memref<10240x128xf32, #tpu.memory_space<vmem_shared>> -> memref<640x128xf32, #tpu.memory_space<vmem_shared>>
      tpu.enqueue_dma source(%dma_start3A_12 : memref<640x128xf32, #tpu.memory_space<vmem_shared>>) target(%dma_start3A_10 : memref<640x128xf32, #tpu.memory_space<hbm>>) target_semaphore(%run_scoped3A : memref<!tpu.dma_semaphore, #tpu.memory_space<semaphore_mem>>)
      %dma_wait3A = arith.constant 0 : i32
      %dma_wait3A_13 = tpu.memref_slice %arg6[%arg0, %mul3A_2, %dma_wait3A] : memref<2x10240x128xf32, #tpu.memory_space<hbm>> -> memref<1x640x128xf32, #tpu.memory_space<hbm>>
      %dma_wait3A_14 = tpu.memref_squeeze %dma_wait3A_13 : memref<1x640x128xf32, #tpu.memory_space<hbm>> -> memref<640x128xf32, #tpu.memory_space<hbm>>
      %dma_wait3A_15 = arith.constant 0 : i32
      %dma_wait3A_16 = tpu.memref_slice %arg10[%mul3A_2, %dma_wait3A_15] : memref<10240x128xf32, #tpu.memory_space<vmem_shared>> -> memref<640x128xf32, #tpu.memory_space<vmem_shared>>
      tpu.wait_dma2 semaphore(%run_scoped3A : memref<!tpu.dma_semaphore, #tpu.memory_space<semaphore_mem>>) src(%dma_wait3A_16 : memref<640x128xf32, #tpu.memory_space<vmem_shared>>) dst(%dma_wait3A_14 : memref<640x128xf32, #tpu.memory_space<hbm>>)
      tpu.yield
    }) : () -> ()
    return
  }
}

module attributes {stable_mosaic.version = 14 : i64} {
  func.func @_tc1_body(%arg0: i32, %arg1: memref<2048x128xf32, #tpu.memory_space<vmem>>, %arg2: memref<128x128xf32, #tpu.memory_space<vmem>>, %arg3: memref<2048x16xf32, #tpu.memory_space<vmem>>, %arg4: memref<2048x16xf32, #tpu.memory_space<vmem>>, %arg5: memref<2048x128xf32, #tpu.memory_space<vmem>>, %arg6: memref<2048x1xf32, #tpu.memory_space<vmem>>) attributes {dimension_semantics = [#tpu.dimension_semantics<arbitrary>], iteration_bounds = array<i64: 5>, scalar_prefetch = 0 : i64, scratch_operands = 0 : i64, tpu.core_type = #tpu.core_type<tc>, window_params = [{transform_indices = @transform_0, window_bounds = array<i64: 2048, 128>}, {pipeline_mode = #tpu.pipeline_mode<synchronous>, transform_indices = @transform_1, window_bounds = array<i64: 128, 128>}, {transform_indices = @transform_2, window_bounds = array<i64: 2048, 16>}, {transform_indices = @transform_3, window_bounds = array<i64: 2048, 16>}, {transform_indices = @transform_4, window_bounds = array<i64: 2048, 128>}, {transform_indices = @transform_5, window_bounds = array<i64: 2048, 1>}]} {
    %get3A = arith.constant 0 : index
    %get3A_0 = arith.constant 0 : index
    %get3A_1 = vector.load %arg3[%get3A, %get3A_0] : memref<2048x16xf32, #tpu.memory_space<vmem>>, vector<2048x1xf32>
    %get3A_2 = arith.constant 0 : index
    %get3A_3 = arith.constant 0 : index
    %get3A_4 = vector.load %arg4[%get3A_2, %get3A_3] : memref<2048x16xf32, #tpu.memory_space<vmem>>, vector<2048x1xf32>
    %add3A = arith.addf %get3A_1, %get3A_4 : vector<2048x1xf32>
    %add3A_5 = arith.constant 1.000000e+00 : f32
    %add3A_6 = vector.broadcast %add3A_5 : f32 to vector<2048x1xf32>
    %add3A_7 = arith.addf %add3A, %add3A_6 : vector<2048x1xf32>
    %rsqrt3A = math.rsqrt %add3A_7 : vector<2048x1xf32>
    %get3A_8 = arith.constant 0 : index
    %get3A_9 = arith.constant 0 : index
    %get3A_10 = vector.load %arg1[%get3A_8, %get3A_9] : memref<2048x128xf32, #tpu.memory_space<vmem>>, vector<2048x128xf32>
    %get3A_11 = arith.constant 0 : index
    %get3A_12 = arith.constant 0 : index
    %get3A_13 = vector.load %arg2[%get3A_11, %get3A_12] : memref<128x128xf32, #tpu.memory_space<vmem>>, vector<128x128xf32>
    %dot_general3A = arith.constant dense<0.000000e+00> : vector<2048x128xf32>
    %dot_general3A_14 = tpu.matmul %get3A_10, %get3A_13, %dot_general3A {dimension_numbers = #tpu.dot_dimension_numbers<[1], [0], [0], [1], [0, 0, 1, 1], [], []>, precision = #tpu.contract_precision<fp32>, transpose_lhs_hint = false} : vector<2048x128xf32>, vector<128x128xf32>, vector<2048x128xf32> -> vector<2048x128xf32>
    %mul3A = vector.broadcast %rsqrt3A : vector<2048x1xf32> to vector<2048x128xf32>
    %mul3A_15 = arith.mulf %dot_general3A_14, %mul3A : vector<2048x128xf32>
    %swap3A = arith.constant 0 : index
    %swap3A_16 = arith.constant 0 : index
    %swap3A_17 = vector.load %arg5[%swap3A, %swap3A_16] : memref<2048x128xf32, #tpu.memory_space<vmem>>, vector<2048x128xf32>
    tpu.vector_store %arg5[%swap3A, %swap3A_16], %mul3A_15 {strides = array<i32>} : memref<2048x128xf32, #tpu.memory_space<vmem>>, vector<2048x128xf32>,
    %swap3A_18 = arith.constant 0 : index
    %swap3A_19 = arith.constant 0 : index
    %swap3A_20 = vector.load %arg6[%swap3A_18, %swap3A_19] : memref<2048x1xf32, #tpu.memory_space<vmem>>, vector<2048x1xf32>
    tpu.vector_store %arg6[%swap3A_18, %swap3A_19], %rsqrt3A {strides = array<i32>} : memref<2048x1xf32, #tpu.memory_space<vmem>>, vector<2048x1xf32>,
    return
  }
  func.func @transform_0(%arg0: i32) -> (i32, i32) {
    %c0_i32 = arith.constant 0 : i32
    %c0_i32_0 = arith.constant 0 : i32
    return %arg0, %c0_i32 : i32, i32
  }
  func.func @transform_1(%arg0: i32) -> (i32, i32) {
    %c0_i32 = arith.constant 0 : i32
    %c0_i32_0 = arith.constant 0 : i32
    %c0_i32_1 = arith.constant 0 : i32
    return %c0_i32, %c0_i32_0 : i32, i32
  }
  func.func @transform_2(%arg0: i32) -> (i32, i32) {
    %c0_i32 = arith.constant 0 : i32
    %c0_i32_0 = arith.constant 0 : i32
    return %arg0, %c0_i32 : i32, i32
  }
  func.func @transform_3(%arg0: i32) -> (i32, i32) {
    %c0_i32 = arith.constant 0 : i32
    %c0_i32_0 = arith.constant 0 : i32
    return %arg0, %c0_i32 : i32, i32
  }
  func.func @transform_4(%arg0: i32) -> (i32, i32) {
    %c0_i32 = arith.constant 0 : i32
    %c0_i32_0 = arith.constant 0 : i32
    return %arg0, %c0_i32 : i32, i32
  }
  func.func @transform_5(%arg0: i32) -> (i32, i32) {
    %c0_i32 = arith.constant 0 : i32
    %c0_i32_0 = arith.constant 0 : i32
    return %arg0, %c0_i32 : i32, i32
  }
}

module attributes {stable_mosaic.version = 14 : i64} {
  func.func @_tc2_body(%arg0: i32, %arg1: memref<2048x128xf32, #tpu.memory_space<vmem>>, %arg2: memref<2048x128xf32, #tpu.memory_space<vmem>>, %arg3: memref<2048x128xf32, #tpu.memory_space<vmem>>, %arg4: memref<2048x1xf32, #tpu.memory_space<vmem>>, %arg5: memref<1x128xf32, #tpu.memory_space<vmem>>, %arg6: memref<1x128xf32, #tpu.memory_space<vmem>>, %arg7: memref<1x128xf32, #tpu.memory_space<vmem>>, %arg8: memref<1x128xf32, #tpu.memory_space<vmem>>, %arg9: memref<1x128xf32, #tpu.memory_space<vmem>>, %arg10: memref<128x64xf32, #tpu.memory_space<vmem>>, %arg11: memref<2048x128xf32, #tpu.memory_space<vmem>>) attributes {dimension_semantics = [#tpu.dimension_semantics<arbitrary>], iteration_bounds = array<i64: 5>, scalar_prefetch = 0 : i64, scratch_operands = 0 : i64, tpu.core_type = #tpu.core_type<tc>, window_params = [{transform_indices = @transform_0, window_bounds = array<i64: 2048, 128>}, {transform_indices = @transform_1, window_bounds = array<i64: 2048, 128>}, {transform_indices = @transform_2, window_bounds = array<i64: 2048, 128>}, {transform_indices = @transform_3, window_bounds = array<i64: 2048, 1>}, {pipeline_mode = #tpu.pipeline_mode<synchronous>, transform_indices = @transform_4, window_bounds = array<i64: 1, 128>}, {pipeline_mode = #tpu.pipeline_mode<synchronous>, transform_indices = @transform_5, window_bounds = array<i64: 1, 128>}, {pipeline_mode = #tpu.pipeline_mode<synchronous>, transform_indices = @transform_6, window_bounds = array<i64: 1, 128>}, {pipeline_mode = #tpu.pipeline_mode<synchronous>, transform_indices = @transform_7, window_bounds = array<i64: 1, 128>}, {pipeline_mode = #tpu.pipeline_mode<synchronous>, transform_indices = @transform_8, window_bounds = array<i64: 1, 128>}, {pipeline_mode = #tpu.pipeline_mode<synchronous>, transform_indices = @transform_9, window_bounds = array<i64: 128, 64>}, {transform_indices = @transform_10, window_bounds = array<i64: 2048, 128>}]} {
    %get3A = arith.constant 0 : index
    %get3A_0 = arith.constant 0 : index
    %get3A_1 = vector.load %arg4[%get3A, %get3A_0] : memref<2048x1xf32, #tpu.memory_space<vmem>>, vector<2048x1xf32>
    %get3A_2 = arith.constant 0 : index
    %get3A_3 = arith.constant 0 : index
    %get3A_4 = vector.load %arg1[%get3A_2, %get3A_3] : memref<2048x128xf32, #tpu.memory_space<vmem>>, vector<2048x128xf32>
    %get3A_5 = arith.constant 0 : index
    %get3A_6 = arith.constant 0 : index
    %get3A_7 = vector.load %arg2[%get3A_5, %get3A_6] : memref<2048x128xf32, #tpu.memory_space<vmem>>, vector<2048x128xf32>
    %add3A = arith.addf %get3A_4, %get3A_7 : vector<2048x128xf32>
    %get3A_8 = arith.constant 0 : index
    %get3A_9 = arith.constant 0 : index
    %get3A_10 = vector.load %arg3[%get3A_8, %get3A_9] : memref<2048x128xf32, #tpu.memory_space<vmem>>, vector<2048x128xf32>
    %add3A_11 = arith.addf %add3A, %get3A_10 : vector<2048x128xf32>
    %mul3A = vector.broadcast %get3A_1 : vector<2048x1xf32> to vector<2048x128xf32>
    %mul3A_12 = arith.mulf %add3A_11, %mul3A : vector<2048x128xf32>
    %get3A_13 = arith.constant 0 : index
    %get3A_14 = arith.constant 0 : index
    %get3A_15 = vector.load %arg9[%get3A_13, %get3A_14] : memref<1x128xf32, #tpu.memory_space<vmem>>, vector<1x128xf32>
    %add3A_16 = vector.broadcast %get3A_15 : vector<1x128xf32> to vector<2048x128xf32>
    %add3A_17 = arith.addf %mul3A_12, %add3A_16 : vector<2048x128xf32>
    %get3A_18 = arith.constant 0 : index
    %get3A_19 = arith.constant 0 : index
    %get3A_20 = vector.load %arg5[%get3A_18, %get3A_19] : memref<1x128xf32, #tpu.memory_space<vmem>>, vector<1x128xf32>
    %sub3A = vector.broadcast %get3A_20 : vector<1x128xf32> to vector<2048x128xf32>
    %sub3A_21 = arith.subf %add3A_17, %sub3A : vector<2048x128xf32>
    %get3A_22 = arith.constant 0 : index
    %get3A_23 = arith.constant 0 : index
    %get3A_24 = vector.load %arg6[%get3A_22, %get3A_23] : memref<1x128xf32, #tpu.memory_space<vmem>>, vector<1x128xf32>
    %add3A_25 = arith.constant 9.99999974E-6 : f32
    %add3A_26 = vector.broadcast %add3A_25 : f32 to vector<1x128xf32>
    %add3A_27 = arith.addf %get3A_24, %add3A_26 : vector<1x128xf32>
    %rsqrt3A = math.rsqrt %add3A_27 : vector<1x128xf32>
    %mul3A_28 = vector.broadcast %rsqrt3A : vector<1x128xf32> to vector<2048x128xf32>
    %mul3A_29 = arith.mulf %sub3A_21, %mul3A_28 : vector<2048x128xf32>
    %get3A_30 = arith.constant 0 : index
    %get3A_31 = arith.constant 0 : index
    %get3A_32 = vector.load %arg7[%get3A_30, %get3A_31] : memref<1x128xf32, #tpu.memory_space<vmem>>, vector<1x128xf32>
    %mul3A_33 = vector.broadcast %get3A_32 : vector<1x128xf32> to vector<2048x128xf32>
    %mul3A_34 = arith.mulf %mul3A_29, %mul3A_33 : vector<2048x128xf32>
    %get3A_35 = arith.constant 0 : index
    %get3A_36 = arith.constant 0 : index
    %get3A_37 = vector.load %arg8[%get3A_35, %get3A_36] : memref<1x128xf32, #tpu.memory_space<vmem>>, vector<1x128xf32>
    %add3A_38 = vector.broadcast %get3A_37 : vector<1x128xf32> to vector<2048x128xf32>
    %add3A_39 = arith.addf %mul3A_34, %add3A_38 : vector<2048x128xf32>
    %max3A = arith.constant 0.000000e+00 : f32
    %max3A_40 = vector.broadcast %max3A : f32 to vector<2048x128xf32>
    %max3A_41 = arith.maximumf %add3A_39, %max3A_40 : vector<2048x128xf32>
    %get3A_42 = arith.constant 0 : index
    %get3A_43 = arith.constant 0 : index
    %get3A_44 = vector.load %arg10[%get3A_42, %get3A_43] : memref<128x64xf32, #tpu.memory_space<vmem>>, vector<128x64xf32>
    %dot_general3A = arith.constant dense<0.000000e+00> : vector<2048x64xf32>
    %dot_general3A_45 = tpu.matmul %max3A_41, %get3A_44, %dot_general3A {dimension_numbers = #tpu.dot_dimension_numbers<[1], [0], [0], [1], [0, 0, 1, 1], [], []>, precision = #tpu.contract_precision<fp32>, transpose_lhs_hint = false} : vector<2048x128xf32>, vector<128x64xf32>, vector<2048x64xf32> -> vector<2048x64xf32>
    %mul3A_46 = vector.broadcast %get3A_1 : vector<2048x1xf32> to vector<2048x64xf32>
    %mul3A_47 = arith.mulf %dot_general3A_45, %mul3A_46 : vector<2048x64xf32>
    %broadcast_in_dim3A = arith.constant 0.000000e+00 : f32
    %broadcast_in_dim3A_48 = vector.broadcast %broadcast_in_dim3A : f32 to vector<2048x64xf32>
    %concatenate3A = tpu.concatenate %mul3A_47, %broadcast_in_dim3A_48 in 1 : vector<2048x64xf32>, vector<2048x64xf32> -> vector<2048x128xf32>
    %swap3A = arith.constant 0 : index
    %swap3A_49 = arith.constant 0 : index
    %swap3A_50 = vector.load %arg11[%swap3A, %swap3A_49] : memref<2048x128xf32, #tpu.memory_space<vmem>>, vector<2048x128xf32>
    tpu.vector_store %arg11[%swap3A, %swap3A_49], %concatenate3A {strides = array<i32>} : memref<2048x128xf32, #tpu.memory_space<vmem>>, vector<2048x128xf32>,
    return
  }
  func.func @transform_0(%arg0: i32) -> (i32, i32) {
    %c0_i32 = arith.constant 0 : i32
    %c0_i32_0 = arith.constant 0 : i32
    return %arg0, %c0_i32 : i32, i32
  }
  func.func @transform_1(%arg0: i32) -> (i32, i32) {
    %c0_i32 = arith.constant 0 : i32
    %c0_i32_0 = arith.constant 0 : i32
    return %arg0, %c0_i32 : i32, i32
  }
  func.func @transform_2(%arg0: i32) -> (i32, i32) {
    %c0_i32 = arith.constant 0 : i32
    %c0_i32_0 = arith.constant 0 : i32
    return %arg0, %c0_i32 : i32, i32
  }
  func.func @transform_3(%arg0: i32) -> (i32, i32) {
    %c0_i32 = arith.constant 0 : i32
    %c0_i32_0 = arith.constant 0 : i32
    return %arg0, %c0_i32 : i32, i32
  }
  func.func @transform_4(%arg0: i32) -> (i32, i32) {
    %c0_i32 = arith.constant 0 : i32
    %c0_i32_0 = arith.constant 0 : i32
    %c0_i32_1 = arith.constant 0 : i32
    return %c0_i32, %c0_i32_0 : i32, i32
  }
  func.func @transform_5(%arg0: i32) -> (i32, i32) {
    %c0_i32 = arith.constant 0 : i32
    %c0_i32_0 = arith.constant 0 : i32
    %c0_i32_1 = arith.constant 0 : i32
    return %c0_i32, %c0_i32_0 : i32, i32
  }
  func.func @transform_6(%arg0: i32) -> (i32, i32) {
    %c0_i32 = arith.constant 0 : i32
    %c0_i32_0 = arith.constant 0 : i32
    %c0_i32_1 = arith.constant 0 : i32
    return %c0_i32, %c0_i32_0 : i32, i32
  }
  func.func @transform_7(%arg0: i32) -> (i32, i32) {
    %c0_i32 = arith.constant 0 : i32
    %c0_i32_0 = arith.constant 0 : i32
    %c0_i32_1 = arith.constant 0 : i32
    return %c0_i32, %c0_i32_0 : i32, i32
  }
  func.func @transform_8(%arg0: i32) -> (i32, i32) {
    %c0_i32 = arith.constant 0 : i32
    %c0_i32_0 = arith.constant 0 : i32
    %c0_i32_1 = arith.constant 0 : i32
    return %c0_i32, %c0_i32_0 : i32, i32
  }
  func.func @transform_9(%arg0: i32) -> (i32, i32) {
    %c0_i32 = arith.constant 0 : i32
    %c0_i32_0 = arith.constant 0 : i32
    %c0_i32_1 = arith.constant 0 : i32
    return %c0_i32, %c0_i32_0 : i32, i32
  }
  func.func @transform_10(%arg0: i32) -> (i32, i32) {
    %c0_i32 = arith.constant 0 : i32
    %c0_i32_0 = arith.constant 0 : i32
    return %arg0, %c0_i32 : i32, i32
  }
}

module attributes {stable_mosaic.version = 14 : i64} {
  func.func @_tc3_body(%arg0: i32, %arg1: memref<2048x128xf32, #tpu.memory_space<vmem>>, %arg2: memref<2048x128xf32, #tpu.memory_space<vmem>>, %arg3: memref<2048x128xf32, #tpu.memory_space<vmem>>, %arg4: memref<2048x1xf32, #tpu.memory_space<vmem>>, %arg5: memref<1x128xf32, #tpu.memory_space<vmem>>, %arg6: memref<128x16xf32, #tpu.memory_space<vmem>>, %arg7: memref<1xf32, #tpu.memory_space<smem>>, %arg8: memref<2048x128xf32, #tpu.memory_space<vmem>>, %arg9: memref<2048x16xf32, #tpu.memory_space<vmem>>) attributes {dimension_semantics = [#tpu.dimension_semantics<arbitrary>], iteration_bounds = array<i64: 5>, scalar_prefetch = 0 : i64, scratch_operands = 0 : i64, tpu.core_type = #tpu.core_type<tc>, window_params = [{transform_indices = @transform_0, window_bounds = array<i64: 2048, 128>}, {transform_indices = @transform_1, window_bounds = array<i64: 2048, 128>}, {transform_indices = @transform_2, window_bounds = array<i64: 2048, 128>}, {transform_indices = @transform_3, window_bounds = array<i64: 2048, 1>}, {pipeline_mode = #tpu.pipeline_mode<synchronous>, transform_indices = @transform_4, window_bounds = array<i64: 1, 128>}, {pipeline_mode = #tpu.pipeline_mode<synchronous>, transform_indices = @transform_5, window_bounds = array<i64: 128, 16>}, {transform_indices = @transform_6, window_bounds = array<i64: 1>}, {transform_indices = @transform_7, window_bounds = array<i64: 2048, 128>}, {transform_indices = @transform_8, window_bounds = array<i64: 2048, 16>}]} {
    %get3A = arith.constant 0 : index
    %get3A_0 = arith.constant 0 : index
    %get3A_1 = vector.load %arg4[%get3A, %get3A_0] : memref<2048x1xf32, #tpu.memory_space<vmem>>, vector<2048x1xf32>
    %get3A_2 = arith.constant 0 : index
    %get3A_3 = arith.constant 0 : index
    %get3A_4 = vector.load %arg1[%get3A_2, %get3A_3] : memref<2048x128xf32, #tpu.memory_space<vmem>>, vector<2048x128xf32>
    %get3A_5 = arith.constant 0 : index
    %get3A_6 = arith.constant 0 : index
    %get3A_7 = vector.load %arg2[%get3A_5, %get3A_6] : memref<2048x128xf32, #tpu.memory_space<vmem>>, vector<2048x128xf32>
    %add3A = arith.addf %get3A_4, %get3A_7 : vector<2048x128xf32>
    %get3A_8 = arith.constant 0 : index
    %get3A_9 = arith.constant 0 : index
    %get3A_10 = vector.load %arg3[%get3A_8, %get3A_9] : memref<2048x128xf32, #tpu.memory_space<vmem>>, vector<2048x128xf32>
    %add3A_11 = arith.addf %add3A, %get3A_10 : vector<2048x128xf32>
    %mul3A = vector.broadcast %get3A_1 : vector<2048x1xf32> to vector<2048x128xf32>
    %mul3A_12 = arith.mulf %add3A_11, %mul3A : vector<2048x128xf32>
    %get3A_13 = arith.constant 0 : index
    %get3A_14 = arith.constant 0 : index
    %get3A_15 = vector.load %arg5[%get3A_13, %get3A_14] : memref<1x128xf32, #tpu.memory_space<vmem>>, vector<1x128xf32>
    %add3A_16 = vector.broadcast %get3A_15 : vector<1x128xf32> to vector<2048x128xf32>
    %add3A_17 = arith.addf %mul3A_12, %add3A_16 : vector<2048x128xf32>
    %swap3A = arith.constant 0 : index
    %swap3A_18 = arith.constant 0 : index
    %swap3A_19 = vector.load %arg8[%swap3A, %swap3A_18] : memref<2048x128xf32, #tpu.memory_space<vmem>>, vector<2048x128xf32>
    tpu.vector_store %arg8[%swap3A, %swap3A_18], %add3A_17 {strides = array<i32>} : memref<2048x128xf32, #tpu.memory_space<vmem>>, vector<2048x128xf32>,
    %get3A_20 = arith.constant 0 : index
    %get3A_21 = arith.constant 0 : index
    %get3A_22 = vector.load %arg6[%get3A_20, %get3A_21] : memref<128x16xf32, #tpu.memory_space<vmem>>, vector<128x16xf32>
    %dot_general3A = arith.constant dense<0.000000e+00> : vector<2048x16xf32>
    %dot_general3A_23 = tpu.matmul %add3A_17, %get3A_22, %dot_general3A {dimension_numbers = #tpu.dot_dimension_numbers<[1], [0], [0], [1], [0, 0, 1, 1], [], []>, precision = #tpu.contract_precision<fp32>, transpose_lhs_hint = false} : vector<2048x128xf32>, vector<128x16xf32>, vector<2048x16xf32> -> vector<2048x16xf32>
    %get3A_24 = arith.constant 0 : index
    %get3A_25 = memref.load %arg7[%get3A_24] : memref<1xf32, #tpu.memory_space<smem>>
    %div3A = vector.broadcast %get3A_25 : f32 to vector<2048x16xf32>
    %div3A_26 = arith.divf %dot_general3A_23, %div3A : vector<2048x16xf32>
    %reduce_max3A = arith.constant dense<0xFF800000> : vector<2048xf32>
    %reduce_max3A_27 = vector.multi_reduction <maximumf>, %div3A_26, %reduce_max3A [1] : vector<2048x16xf32> to vector<2048xf32>
    %broadcast_in_dim3A = vector.shape_cast %reduce_max3A_27 : vector<2048xf32> to vector<2048x1xf32>
    %sub3A = vector.broadcast %broadcast_in_dim3A : vector<2048x1xf32> to vector<2048x16xf32>
    %sub3A_28 = arith.subf %div3A_26, %sub3A : vector<2048x16xf32>
    %exp3A = math.exp %sub3A_28 : vector<2048x16xf32>
    %reduce_sum3A = arith.constant dense<0.000000e+00> : vector<2048xf32>
    %reduce_sum3A_29 = vector.multi_reduction <add>, %exp3A, %reduce_sum3A [1] : vector<2048x16xf32> to vector<2048xf32>
    %broadcast_in_dim3A_30 = vector.shape_cast %reduce_sum3A_29 : vector<2048xf32> to vector<2048x1xf32>
    %div3A_31 = vector.broadcast %broadcast_in_dim3A_30 : vector<2048x1xf32> to vector<2048x16xf32>
    %div3A_32 = arith.divf %exp3A, %div3A_31 : vector<2048x16xf32>
    %swap3A_33 = arith.constant 0 : index
    %swap3A_34 = arith.constant 0 : index
    %swap3A_35 = vector.load %arg9[%swap3A_33, %swap3A_34] : memref<2048x16xf32, #tpu.memory_space<vmem>>, vector<2048x16xf32>
    tpu.vector_store %arg9[%swap3A_33, %swap3A_34], %div3A_32 {strides = array<i32>} : memref<2048x16xf32, #tpu.memory_space<vmem>>, vector<2048x16xf32>,
    return
  }
  func.func @transform_0(%arg0: i32) -> (i32, i32) {
    %c0_i32 = arith.constant 0 : i32
    %c0_i32_0 = arith.constant 0 : i32
    return %arg0, %c0_i32 : i32, i32
  }
  func.func @transform_1(%arg0: i32) -> (i32, i32) {
    %c0_i32 = arith.constant 0 : i32
    %c0_i32_0 = arith.constant 0 : i32
    return %arg0, %c0_i32 : i32, i32
  }
  func.func @transform_2(%arg0: i32) -> (i32, i32) {
    %c0_i32 = arith.constant 0 : i32
    %c0_i32_0 = arith.constant 0 : i32
    return %arg0, %c0_i32 : i32, i32
  }
  func.func @transform_3(%arg0: i32) -> (i32, i32) {
    %c0_i32 = arith.constant 0 : i32
    %c0_i32_0 = arith.constant 0 : i32
    return %arg0, %c0_i32 : i32, i32
  }
  func.func @transform_4(%arg0: i32) -> (i32, i32) {
    %c0_i32 = arith.constant 0 : i32
    %c0_i32_0 = arith.constant 0 : i32
    %c0_i32_1 = arith.constant 0 : i32
    return %c0_i32, %c0_i32_0 : i32, i32
  }
  func.func @transform_5(%arg0: i32) -> (i32, i32) {
    %c0_i32 = arith.constant 0 : i32
    %c0_i32_0 = arith.constant 0 : i32
    %c0_i32_1 = arith.constant 0 : i32
    return %c0_i32, %c0_i32_0 : i32, i32
  }
  func.func @transform_6(%arg0: i32) -> i32 {
    %c0_i32 = arith.constant 0 : i32
    %c0_i32_0 = arith.constant 0 : i32
    return %c0_i32 : i32
  }
  func.func @transform_7(%arg0: i32) -> (i32, i32) {
    %c0_i32 = arith.constant 0 : i32
    %c0_i32_0 = arith.constant 0 : i32
    return %arg0, %c0_i32 : i32, i32
  }
  func.func @transform_8(%arg0: i32) -> (i32, i32) {
    %c0_i32 = arith.constant 0 : i32
    %c0_i32_0 = arith.constant 0 : i32
    return %arg0, %c0_i32 : i32, i32
  }
}

</mosaic_0001>

<sc_bundles>
// kernel: kernel.11.cloned.1.call-start
scs
__scs_entry_jumppad:
0x0: {  	(pc) =	sbr.rel $0x88, $3  }
0x1: {  	(tag) =	ssettag $0x0;
	lr =	simm.s32 $0x1  }
0x2: {  	[smem:$0x3F95] =	sst lr;
	_ =	strace $0xD0000000  }
0x3: {  	_ = 	snop  }
0x4: {  	_ = 	snop  }
0x5: {  	_ = 	snop  }
0x6: {  	_ = 	snop  }
0x7: {  	_ = 	snop  }
__scs_overlays_trampoline_lowered:
0x8: {  	[smem:$0x3FA4] =	sst s0  }
0x9: {  	[smem:$0x3FA5] =	sst s1  }
0xa: {  	[smem:$0x3FA6] =	sst s2  }
0xb: {  	[smem:$0x3FA7] =	sst s3  }
0xc: {  	[smem:$0x3FA8] =	sst s4  }
0xd: {  	[smem:$0x3FA9] =	sst s5  }
0xe: {  	[smem:$0x3FAA] =	sst s6  }
0xf: {  	[smem:$0x3FAB] =	sst s7  }
0x10: {  	[smem:$0x3FAC] =	sst s8  }
0x11: {  	[smem:$0x3FAD] =	sst s9;
	s0 =	simm.s32 @!p0 $0x0  }
0x12: {  	s1 =	sld [smem:$0x3F93];
	s0 =	simm.s32 @p0 $0x1  }
0x13: {  	[smem:$0x3FAE] =	sst s0;
	s0 =	simm.s32 @!p1 $0x0  }
0x14: {  	s2 =	sld [smem:$0x3F92];
	s0 =	simm.s32 @p1 $0x1  }
0x15: {  	[smem:$0x3FAF] =	sst s0;
	s0 =	simm.s32 @!p2 $0x0  }
0x16: {  	s3 =	sld [smem:$0x3FDB];
	s0 =	simm.s32 @p2 $0x1  }
0x17: {  	s4 =	simm.s32 $0x1BF5;
	[smem:$0x3FB1] =	sst s0  }
0x18: {  	s0 =	sld [smem:$0x3F94];
	_ =	swait.ge [sflag:s4], $0x0  }
0x19: {  	s7 =	sld [smem:$0x3F95]  }
0x1a: {  	s8 =	sadd.s32 $0xFFFFE003, lr  }
0x1b: {  	s9 =	sadd.s32 $0xFFFFFEF7, lr;
	s5 =	simm.s32 $0xFFFFFFFF;
	p2 =	slt.u32 s8, $0xFFFFF086  }
0x1c: {  	p1 =	slt.u32 s9, $0xF7A;
	s5 =	simm.s32 @!p2 $0x0  }
0x1d: {  	s5 =	simm.s32 @p1 $0x1;
	p0 =	seq.s32 s7, s2  }
0x1e: {  	s7 =	smul.u32 @!p0 $0xF7A, s2;
	p2 =	seq.s32 @!p0 s5, $0x0  }
0x1f: {  	s9 =	smul.u32 $0xF7A, s1;
	s8 =	simm.s32 @!p0 $0x1BF5;
	p2 =	por !p2, p0  }
0x20: {  	[sflag:s8] =	ssyncset.s32 @!p0 $0xFFFFF086;
	s6 =	sadd.s32 @!p0 s3, s7;
	s7 =	simm.s32 @!p0 $0x108  }
0x21: {  	s3 =	sadd.s32 s3, s9;
	s6 =	sadd.s32 @!p0 $0x88, s6;
	s7 =	simm.s32 @p2 $0x1082  }
0x22: {  	[simem:s7], [sflag:s8] =	dma.local @!p0 [hbm:s6], $0xF7A  }
0x23: {  	s9 =	sor.u32 $0xD0000000, s2;
	s6 =	simm.s32 $0x108;
	_ =	swait.ge @!p0 [sflag:s8], $0x0  }
0x24: {  	s3 =	sadd.s32 $0x88, s3;
	s6 =	simm.s32 @!p1 $0x1082;
	[sflag:s4] =	ssyncset.s32 $0xFFFFF086  }
0x25: {  	[simem:s6], [sflag:s4] =	dma.local [hbm:s3], $0xF7A  }
0x26: {  	[smem:$0x3F95] =	sst s1;
	(tag) =	ssettag s2;
	_ =	strace s9  }
0x27: {  	s1 =	sld [smem:$0x3FA5]  }
0x28: {  	s2 =	sld [smem:$0x3FA6]  }
0x29: {  	s4 =	sld [smem:$0x3FA8]  }
0x2a: {  	p0 =	seq.s32 s5, $0x0;
	s5 =	sld [smem:$0x3FA9]  }
0x2b: {  	s6 =	sld [smem:$0x3FAA]  }
0x2c: {  	s7 =	sld [smem:$0x3FAB]  }
0x2d: {  	s3 =	simm.s32 $0x108;
	s8 =	sld [smem:$0x3FAC]  }
0x2e: {  	s3 =	simm.s32 @!p0 $0x1082;
	s9 =	sld [smem:$0x3FAD]  }
0x2f: {  	lr =	sadd.s32 s0, s3;
	s0 =	sld [smem:$0x3FA4]  }
0x30: {  	s3 =	sld [smem:$0x3FA7]  }
0x31: {  	[smem:$0x3FB0] =	sst s10  }
0x32: {  	s10 =	sld [smem:$0x3FAE];
	_ =	sdelay $0x3  }
0x33: {  	p0 =	seq.s32 s10, $0x1;
	s10 =	sld [smem:$0x3FB0];
	_ =	sdelay $0x3  }
0x34: {  	[smem:$0x3FB0] =	sst s10  }
0x35: {  	s10 =	sld [smem:$0x3FAF];
	_ =	sdelay $0x3  }
0x36: {  	p1 =	seq.s32 s10, $0x1;
	s10 =	sld [smem:$0x3FB0];
	_ =	sdelay $0x3  }
0x37: {  	[smem:$0x3FB0] =	sst s10  }
0x38: {  	s10 =	sld [smem:$0x3FB1]  }
0x39: {  	_ = 	snop;
	(pc) =	sbr.ind lr, $3  }
0x3a: {  	_ = 	snop  }
0x3b: {  	_ = 	snop  }
0x3c: {  	p2 =	seq.s32 s10, $0x1;
	s10 =	sld [smem:$0x3FB0]  }
0x3d: {  	_ =	shalt  }
0x3e: {  	_ =	shalt  }
0x3f: {  	_ =	shalt  }
0x40: {  	_ =	shalt  }
0x41: {  	_ =	shalt  }
0x42: {  	_ =	shalt  }
0x43: {  	_ =	shalt  }
0x44: {  	_ =	shalt  }
0x45: {  	_ =	shalt  }
0x46: {  	_ =	shalt  }
0x47: {  	_ =	shalt  }
0x48: {  	_ =	shalt  }
0x49: {  	_ =	shalt  }
0x4a: {  	_ =	shalt  }
0x4b: {  	_ =	shalt  }
0x4c: {  	_ =	shalt  }
0x4d: {  	_ =	shalt  }
0x4e: {  	_ =	shalt  }
0x4f: {  	_ =	shalt  }
0x50: {  	_ =	shalt  }
0x51: {  	_ =	shalt  }
0x52: {  	_ =	shalt  }
0x53: {  	_ =	shalt  }
0x54: {  	_ =	shalt  }
0x55: {  	_ =	shalt  }
0x56: {  	_ =	shalt  }
0x57: {  	_ =	shalt  }
0x58: {  	_ =	shalt  }
0x59: {  	_ =	shalt  }
0x5a: {  	_ =	shalt  }
0x5b: {  	_ =	shalt  }
0x5c: {  	_ =	shalt  }
0x5d: {  	_ =	shalt  }
0x5e: {  	_ =	shalt  }
0x5f: {  	_ =	shalt  }
0x60: {  	_ =	shalt  }
0x61: {  	_ =	shalt  }
0x62: {  	_ =	shalt  }
0x63: {  	_ =	shalt  }
0x64: {  	_ =	shalt  }
0x65: {  	_ =	shalt  }
0x66: {  	_ =	shalt  }
0x67: {  	_ =	shalt  }
0x68: {  	_ =	shalt  }
0x69: {  	_ =	shalt  }
0x6a: {  	_ =	shalt  }
0x6b: {  	_ =	shalt  }
0x6c: {  	_ =	shalt  }
0x6d: {  	_ =	shalt  }
0x6e: {  	_ =	shalt  }
0x6f: {  	_ =	shalt  }
0x70: {  	_ =	shalt  }
0x71: {  	_ =	shalt  }
0x72: {  	_ =	shalt  }
0x73: {  	_ =	shalt  }
0x74: {  	_ =	shalt  }
0x75: {  	_ =	shalt  }
0x76: {  	_ =	shalt  }
0x77: {  	_ =	shalt  }
0x78: {  	_ =	shalt  }
0x79: {  	_ =	shalt  }
0x7a: {  	_ =	shalt  }
0x7b: {  	_ =	shalt  }
0x7c: {  	_ =	shalt  }
0x7d: {  	_ =	shalt  }
0x7e: {  	_ =	shalt  }
0x7f: {  	_ =	shalt  }
0x80: {  	_ =	shalt  }
0x81: {  	_ =	shalt  }
0x82: {  	_ =	shalt  }
0x83: {  	_ =	shalt  }
0x84: {  	_ =	shalt  }
0x85: {  	_ =	shalt  }
0x86: {  	_ =	shalt  }
0x87: {  	_ =	shalt  }
.Lfunc_end0:
.L_simem_size_0:
called_computation.1_lowered:
.L_overlay_start_0:
0x88: {  	s2 =	sld [smem:$0x3FD9]  }
0x89: {  	s3 =	sld [smem:$0x3FFE];
	_ =	sdelay $0x1  }
0x8a: {  	s1 =	srdreg.scid  }
0x8b: {  	s0 =	sand.u32 $0x1, s1  }
0x8c: {  	s14 =	sshll.u32 s0, $0xA;
	s2 =	sadd.s32 s3, s2  }
0x8d: {  	s2 =	sadd.s32 s2, s14  }
0x8e: {  	[smem:$0x3FBC] =	sst s2  }
0x8f: {  	_ = 	snop  }
0x90: {  	s2 =	sld [smem:$0x3FD0];
	_ =	sdelay $0x2  }
0x91: {  	s15 =	simm.s32 $0xA;
	s4 =	simm.s32 $0x10  }
0x92: {  	[smem:s4], [sflag:s15] =	dma.local [hbm:s2], $0x1  }
0x93: {  	_ =	swait.eq [sflag:s15], $0x1  }
0x94: {  	[sflag:s15] =	ssyncset.done $0x0  }
0x95: {  	[sflag:s15] =	ssyncadd.s32 $0xFFFFFFFF  }
0x96: {  	s16 =	sld [smem:$0x10];
	(tm) =	ssettm $0x1  }
0x97: {  	s17 =	sld [smem:$0x3FFB];
	_ =	sdelay $0x3  }
0x98: {  	_ =	strace s17  }
0x99: {  	s3 =	sld [smem:$0x3FFC];
	_ =	sdelay $0x3  }
0x9a: {  	_ =	strace s3  }
0x9b: {  	s3 =	sld [smem:$0x3FFD];
	_ =	sdelay $0x3  }
0x9c: {  	_ =	strace s3  }
0x9d: {  	_ =	strace $0x8FFFFFFF  }
0x9e: {  	s18 =	sld [smem:$0x3FDB];
	_ =	sdelay $0x1  }
0x9f: {  	s19 =	simm.s32 $_scs_section_size  }
0xa0: {  	s5 =	simm.s32 $_size__tile_overlayer_lowered;
	s6 =	simm.s32 $_tile_overlayer_lowered  }
0xa1: {  	s22 =	simm.s32 $0x1BFF;
	s21 =	sshll.u32 s6, $0x1;
	s3 =	sadd.s32 s19, s18  }
0xa2: {  	s7 =	simm.s32 $0x0;
	s20 =	sshll.u32 s5, $0x1;
	s5 =	sadd.s32 s21, s3  }
0xa3: {  	[timem:s7], [sflag:s22] =	dma.local [hbm:s5], s20  }
0xa4: {  	_ =	swait.ge [sflag:s22], s20  }
0xa5: {  	s4 =	ssub.s32 $0x0, s20;
	[sflag:s22] =	ssyncset.done $0x0  }
0xa6: {  	[sflag:s22] =	ssyncadd.s32 s4;
	_ =	sdelay $0x1  }
0xa7: {  	s23 =	simm.s32 $0x1B8B  }
0xa8: {  	_ =	swait.ge [sflag:s23], $0x1  }
0xa9: {  	[sflag:s23] =	ssyncset.done $0x0  }
0xaa: {  	s25 =	simm.s32 $0x1B8E;
	s24 =	sld [smem:$0x3FFE];
	[sflag:s23] =	ssyncadd.s32 $0xFFFFFFFF  }
0xab: {  	s26 =	simm.s32 $execute0_lowered;
	[smem:$0x3FD2] =	sst s25  }
0xac: {  	s5 =	sshll.u32 s26, $0x1;
	_ =	strace $0x80000049;
	[dreg:$0x1] =	wrdreg $0xFFFFFFFF  }
0xad: {  	s28 =	simm.s32 $_size_execute0_lowered;
	s3 =	sadd.s32 s3, s5;
	[dreg:$0x0] =	wrdreg $0x0  }
0xae: {  	s5 =	sshll.u32 s28, $0x1;
	[dreg:$0x2] =	wrdreg s3  }
0xaf: {  	[dreg:$0x3] =	wrdreg s5  }
0xb0: {  	[dreg:$0x4] =	wrdreg $0xC0  }
0xb1: {  	_ =	task [dreg:s7], $0x5FFFF  }
0xb2: {  	[dreg:$0x1] =	wrdreg $0xFFFFFFFF  }
0xb3: {  	[dreg:$0x0] =	wrdreg $0x60  }
0xb4: {  	[dreg:$0x2] =	wrdreg s24  }
0xb5: {  	[dreg:$0x3] =	wrdreg s16  }
0xb6: {  	[dreg:$0x4] =	wrdreg $0xA8000  }
0xb7: {  	[dreg:$0x5] =	wrdreg $0x9  }
0xb8: {  	_ =	task.clear_ibuf [dreg:s7], $0x6FFFF;
	_ =	strace $0x90000049  }
0xb9: {  	s29 =	simm.s32 $0x9;
	_ =	strace $0x8000004B  }
0xba: {  	_ =	swait.ge [sflag:s29], $0x1  }
0xbb: {  	[sflag:s29] =	ssyncadd.s32 $0xFFFFFFFF  }
0xbc: {  	_ =	strace $0x9000004B  }
0xbd: {  	_ =	sfence  }
0xbe: {  	s30 =	sld [smem:$0x0];
	_ =	sdelay $0x2  }
0xbf: {  	s31 =	sshll.u32 s1, $0xD;
	s1 =	sshrl.u32 s1, $0x2  }
0xc0: {  	s3 =	sand.u32 $0x4000, s31;
	s1 =	sadd.s32 s1, s30  }
0xc1: {  	s0 =	sor.u32 s3, s0;
	s1 =	sshll.u32 s1, $0x11  }
0xc2: {  	s0 =	sor.u32 s1, s0  }
0xc3: {  	s0 =	sadd.s32 $0x8F2B, s0  }
0xc4: {  	[sflag:s0] =	ssyncadd.remote.s32 $0x1  }
0xc5: {  	_ =	sfence.sel $0xFFFF  }
0xc6: {  	[dreg:$0x0] =	wrdreg $0xFFFFFFFF;
	(pc) =	sbr.abs _section_cstart, $3  }
0xc7: {  	[dreg:$0x1] =	wrdreg $0xFFFFFFFF  }
0xc8: {  	_ =	task.clear_ibuf [dreg:s7], $0x2FFFF;
	_ =	strace $0x9FFFFFFF  }
0xc9: {  	(tm) =	ssettm $0x7FFFFFFF  }
tec
execute0_lowered:
.L_overlay_start_1:
0x0: {  	(tag) =	ssettag $0x1  }
0x1: {  	s5 =	rddreg [dreg:$0x0]  }
0x2: {  	s8 =	rddreg [dreg:$0x1]  }
0x3: {  	s1 =	rddreg [dreg:$0x2]  }
0x4: {  	s0 =	rddreg [dreg:$0x3];
	s3 =	simm.s32 $0x0;
	s4 =	srdreg.scid  }
0x5: {  	s2 =	stileid.u32;
	s16 =	simm.s32 $0x1;
	s17 =	simm.s32 $0x0  }
0x6: {  	[smem:$0x7FF] =	sst s3;
	s6 =	sand.u32 $0x1, s4;
	s9 =	smul.u32 $0x14000, s2  }
0x7: {  	s26 =	sshll.u32 s2, $0xC;
	s4 =	sadd.s32 $0x3600, s5;
	s29 =	smul.u32 $0x50000, s2  }
0x8: {  	s31 =	sshll.u32 s2, $0x6;
	s7 =	sshll.u32 s6, $0xB;
	_ =	strace $0x8000004A  }
0x9: {  	s28 =	smul.u32 $0x140000, s6;
	s6 =	ssub.s32 $0x2, s6;
	s10 =	sor.u32 s7, s26  }
0xa: {  	s12 =	sshrl.u32 s9, $0x3;
	s13 =	sshrl.u32 s6, $0x1;
	s30 =	sshrl.u32 s29, $0x2  }
0xb: {  	s11 =	sadd.s32 s10, s5;
	s7 =	sadd.s32 s9, s28;
	s12 =	sadd.s32 s12, s5  }
0xc: {  	s13 =	ssub.s32 s6, s13;
	s15 =	sadd.s32 s30, s1;
	s6 =	sor.u32 $0x1C02, s31  }
0xd: {  	s8 =	sadd.s32 s8, s10;
	s7 =	sshrl.u32 s7, $0x3;
	s10 =	smax.u32 s13, $0x1  }
0xe: {  	s13 =	simm.s32 $0x4000;
	s14 =	sadd.s32 s7, s5;
	s5 =	sadd.s32 $0x53600, s12  }
0xf: {  	s7 =	sadd.s32 $0x7B600, s11;
	s11 =	sshrl.u32 s15, $0x3;
	s12 =	simm.s32 $0x2  }
0x10: {  	s15 =	simm.s32 $0x8000;
	s9 =	sadd.s32 $0x8B600, s14;
	s14 =	simm.s32 $0x50  }
.LBB2_1:
0x11: {  	[spmem:s11], [sflag:s6] =	dma.local [hbm:s5], $0x2800  }
0x12: {  	_ =	swait.ge [sflag:s12], $0x2800  }
0x13: {  	[sflag:s12] =	ssyncset.done $0x0  }
0x14: {  	[sflag:s12] =	ssyncadd.s32 $0xFFFFD800  }
0x15: {  	[tilespmem:s3], [sflag:$0x2] =	stream.linear.gather [hbm4b:s7+s3], $0x3E80, $0x38;
	[tilespmem:$0x1E800] =	vst v63  }
0x16: {  	_ =	swait.ge [sflag:s12], $0x3E80  }
0x17: {  	[sflag:s12] =	ssyncset.done $0x0  }
0x18: {  	[sflag:s12] =	ssyncadd.s32 $0xFFFFC180  }
0x19: {  	[tilespmem:s13], [sflag:$0x2] =	stream.linear.gather [hbm4b:s8+s3], $0x3E80, $0x38;
	[tilespmem:$0x1E800] =	vst v63  }
0x1a: {  	_ =	swait.ge [sflag:s12], $0x3E80  }
0x1b: {  	[sflag:s12] =	ssyncset.done $0x0  }
0x1c: {  	[sflag:s12] =	ssyncadd.s32 $0xFFFFC180  }
0x1d: {  	s18 =	simm.s32 $0x0;
	[bflag:$0x0] =	sbarrier.arrive $0xFFFF  }
0x1e: {  	[tilespmem:s15], [sflag:$0x1] =	stream.indirect.gather [hbm4b:s4+s14], $0x80, s18, s14, $0xb8;
	[tilespmem:$0x1E800] =	vst v63  }
0x1f: {  	_ =	swait.ge [sflag:s16], $0x2800  }
0x20: {  	[sflag:s16] =	ssyncset.done $0x0  }
0x21: {  	s31 =	simm.s32 $0x4000;
	[sflag:s16] =	ssyncadd.s32 $0xFFFFD800  }
0x22: {  	[spmem:s1] =	stream.indirect.scatter.add.f32 [tilespmem:s15], [sflag:$0x2], $0x80, s31, s14, $0xb8;
	[tilespmem:$0x1E800] =	vst v63  }
0x23: {  	_ =	swait.ge [sflag:s12], $0x2800  }
0x24: {  	s19 =	simm.s32 $0x400;
	s18 =	simm.s32 $0x200;
	[sflag:s12] =	ssyncset.done $0x0  }
.LBB2_2:
0x25: {  	s20 =	sshra.s32 s18, $0x2  }
0x26: {  	[sflag:s12] =	ssyncadd.s32 $0xFFFFD800;
	s18 =	smov.u32 s19;
	s21 =	sadd.s32 $0x200, s19  }
0x27: {  	[tilespmem:s15], [sflag:$0x1] =	stream.indirect.gather [hbm4b:s4+s14], $0x80, s20, s14, $0xb8;
	[tilespmem:$0x1E800] =	vst v63  }
0x28: {  	p0 =	sne.s32 s19, $0xF800;
	_ =	swait.ge [sflag:s16], $0x2800  }
.Ltmp0:
0x29: {  	[sflag:s16] =	ssyncset.done $0x0;
	(pc) =	sbr.rel @p0 .LBB2_2-.Ltmp0, $4  }
0x2a: {  	s19 =	sadd.s32 $0x4000, s20;
	[sflag:s16] =	ssyncadd.s32 $0xFFFFD800  }
0x2b: {  	[spmem:s1] =	stream.indirect.scatter.add.f32 [tilespmem:s15], [sflag:$0x2], $0x80, s19, s14, $0xb8;
	[tilespmem:$0x1E800] =	vst v63  }
0x2c: {  	_ =	swait.ge [sflag:s12], $0x2800  }
0x2d: {  	s19 =	smov.u32 s21;
	[sflag:s12] =	ssyncset.done $0x0  }
0x2e: {  	s18 =	sshra.s32 s18, $0x2;
	[sflag:s12] =	ssyncadd.s32 $0xFFFFD800  }
0x2f: {  	[tilespmem:s15], [sflag:$0x1] =	stream.indirect.gather [hbm4b:s4+s14], $0x80, s18, s14, $0xb8;
	[tilespmem:$0x1E800] =	vst v63  }
0x30: {  	_ =	swait.ge [sflag:s16], $0x2800  }
0x31: {  	[sflag:s16] =	ssyncset.done $0x0  }
0x32: {  	s18 =	sadd.s32 $0x4000, s18;
	[sflag:s16] =	ssyncadd.s32 $0xFFFFD800  }
0x33: {  	[spmem:s1] =	stream.indirect.scatter.add.f32 [tilespmem:s15], [sflag:$0x2], $0x80, s18, s14, $0xb8;
	[tilespmem:$0x1E800] =	vst v63  }
0x34: {  	_ =	swait.ge [sflag:s12], $0x2800  }
0x35: {  	s17 =	sadd.s32 $0x1, s17;
	[sflag:s12] =	ssyncset.done $0x0  }
0x36: {  	p0 =	sne.s32 s17, s10;
	[sflag:s12] =	ssyncadd.s32 $0xFFFFD800  }
.Ltmp1:
0x37: {  	[bflag:$0x0] =	sbarrier.arrive $0xFFFF;
	(pc) =	sbr.rel @p0 .LBB2_1-.Ltmp1, $4  }
0x38: {  	[hbm:s9], [sflag:s6] =	dma.local [spmem:s11], $0x2800  }
0x39: {  	_ =	swait.ge [sflag:s12], $0x2800  }
0x3a: {  	[sflag:s12] =	ssyncset.done $0x0  }
0x3b: {  	[sflag:s12] =	ssyncadd.s32 $0xFFFFD800  }
0x3c: {  	_ =	sfence.sel $0x180000  }
0x3d: {  	[bflag:$0x0] =	sbarrier.arrive $0xFFFF  }
0x3e: {  	p0 =	sne.s32 s2, $0x0;
	_ =	strace $0x9000004A  }
0x3f: {  	s0 =	sadd.s32 @!p0 $0x100000, s0;
	[bflag:$0x2] =	sbarrier.arrive $0xFFFF  }
0x40: {  	[sflag:s0] =	ssyncadd.tile.s32 @!p0 $0x1;
	_ =	shalt  }
.Lfunc_end2:
_tile_overlayer_lowered:
.L_overlay_start_2:
0x41: {  	(tag) =	ssettag $0x2  }
0x42: {  	s0 =	rddreg [dreg:$0x0];
	s2 =	stileid.u32  }
0x43: {  	s1 =	rddreg [dreg:$0x1];
	p0 =	sne.s32 s2, $0x0  }
0x44: {  	s3 =	rddreg [dreg:$0x2];
	[bflag:$0x3] =	sbarrier.arrive $0xFFFF;
	s2 =	simm.s32 @!p0 $0x1C02  }
0x45: {  	[timem:s3], [sflag:s2] =	dma.local @!p0 [hbm:s0], s1  }
0x46: {  	s0 =	simm.s32 @!p0 $0x2  }
0x47: {  	_ =	swait.ge @!p0 [sflag:s0], s1  }
0x48: {  	s1 =	ssub.s32 @!p0 $0x0, s1;
	[sflag:s0] =	ssyncset.done @!p0 $0x0  }
0x49: {  	[sflag:s0] =	ssyncadd.s32 @!p0 s1  }
0x4a: {  	[bflag:$0x3] =	sbarrier.arrive $0xFFFF  }
0x4b: {  	_ =	shalt  }

// kernel: kernel.14.cloned.1.call-start
scs
__scs_entry_jumppad:
0x0: {  	(pc) =	sbr.rel $0x88, $3  }
0x1: {  	(tag) =	ssettag $0x0;
	lr =	simm.s32 $0x1  }
0x2: {  	[smem:$0x3F95] =	sst lr;
	_ =	strace $0xD0000000  }
0x3: {  	_ = 	snop  }
0x4: {  	_ = 	snop  }
0x5: {  	_ = 	snop  }
0x6: {  	_ = 	snop  }
0x7: {  	_ = 	snop  }
__scs_overlays_trampoline_lowered:
0x8: {  	[smem:$0x3FA4] =	sst s0  }
0x9: {  	[smem:$0x3FA5] =	sst s1  }
0xa: {  	[smem:$0x3FA6] =	sst s2  }
0xb: {  	[smem:$0x3FA7] =	sst s3  }
0xc: {  	[smem:$0x3FA8] =	sst s4  }
0xd: {  	[smem:$0x3FA9] =	sst s5  }
0xe: {  	[smem:$0x3FAA] =	sst s6  }
0xf: {  	[smem:$0x3FAB] =	sst s7  }
0x10: {  	[smem:$0x3FAC] =	sst s8  }
0x11: {  	[smem:$0x3FAD] =	sst s9;
	s0 =	simm.s32 @!p0 $0x0  }
0x12: {  	s1 =	sld [smem:$0x3F93];
	s0 =	simm.s32 @p0 $0x1  }
0x13: {  	[smem:$0x3FAE] =	sst s0;
	s0 =	simm.s32 @!p1 $0x0  }
0x14: {  	s2 =	sld [smem:$0x3F92];
	s0 =	simm.s32 @p1 $0x1  }
0x15: {  	[smem:$0x3FAF] =	sst s0;
	s0 =	simm.s32 @!p2 $0x0  }
0x16: {  	s3 =	sld [smem:$0x3FDB];
	s0 =	simm.s32 @p2 $0x1  }
0x17: {  	s4 =	simm.s32 $0x1BF5;
	[smem:$0x3FB1] =	sst s0  }
0x18: {  	s0 =	sld [smem:$0x3F94];
	_ =	swait.ge [sflag:s4], $0x0  }
0x19: {  	s7 =	sld [smem:$0x3F95]  }
0x1a: {  	s8 =	sadd.s32 $0xFFFFE003, lr  }
0x1b: {  	s9 =	sadd.s32 $0xFFFFFEF7, lr;
	s5 =	simm.s32 $0xFFFFFFFF;
	p2 =	slt.u32 s8, $0xFFFFF086  }
0x1c: {  	p1 =	slt.u32 s9, $0xF7A;
	s5 =	simm.s32 @!p2 $0x0  }
0x1d: {  	s5 =	simm.s32 @p1 $0x1;
	p0 =	seq.s32 s7, s2  }
0x1e: {  	s7 =	smul.u32 @!p0 $0xF7A, s2;
	p2 =	seq.s32 @!p0 s5, $0x0  }
0x1f: {  	s9 =	smul.u32 $0xF7A, s1;
	s8 =	simm.s32 @!p0 $0x1BF5;
	p2 =	por !p2, p0  }
0x20: {  	[sflag:s8] =	ssyncset.s32 @!p0 $0xFFFFF086;
	s6 =	sadd.s32 @!p0 s3, s7;
	s7 =	simm.s32 @!p0 $0x108  }
0x21: {  	s3 =	sadd.s32 s3, s9;
	s6 =	sadd.s32 @!p0 $0x88, s6;
	s7 =	simm.s32 @p2 $0x1082  }
0x22: {  	[simem:s7], [sflag:s8] =	dma.local @!p0 [hbm:s6], $0xF7A  }
0x23: {  	s9 =	sor.u32 $0xD0000000, s2;
	s6 =	simm.s32 $0x108;
	_ =	swait.ge @!p0 [sflag:s8], $0x0  }
0x24: {  	s3 =	sadd.s32 $0x88, s3;
	s6 =	simm.s32 @!p1 $0x1082;
	[sflag:s4] =	ssyncset.s32 $0xFFFFF086  }
0x25: {  	[simem:s6], [sflag:s4] =	dma.local [hbm:s3], $0xF7A  }
0x26: {  	[smem:$0x3F95] =	sst s1;
	(tag) =	ssettag s2;
	_ =	strace s9  }
0x27: {  	s1 =	sld [smem:$0x3FA5]  }
0x28: {  	s2 =	sld [smem:$0x3FA6]  }
0x29: {  	s4 =	sld [smem:$0x3FA8]  }
0x2a: {  	p0 =	seq.s32 s5, $0x0;
	s5 =	sld [smem:$0x3FA9]  }
0x2b: {  	s6 =	sld [smem:$0x3FAA]  }
0x2c: {  	s7 =	sld [smem:$0x3FAB]  }
0x2d: {  	s3 =	simm.s32 $0x108;
	s8 =	sld [smem:$0x3FAC]  }
0x2e: {  	s3 =	simm.s32 @!p0 $0x1082;
	s9 =	sld [smem:$0x3FAD]  }
0x2f: {  	lr =	sadd.s32 s0, s3;
	s0 =	sld [smem:$0x3FA4]  }
0x30: {  	s3 =	sld [smem:$0x3FA7]  }
0x31: {  	[smem:$0x3FB0] =	sst s10  }
0x32: {  	s10 =	sld [smem:$0x3FAE];
	_ =	sdelay $0x3  }
0x33: {  	p0 =	seq.s32 s10, $0x1;
	s10 =	sld [smem:$0x3FB0];
	_ =	sdelay $0x3  }
0x34: {  	[smem:$0x3FB0] =	sst s10  }
0x35: {  	s10 =	sld [smem:$0x3FAF];
	_ =	sdelay $0x3  }
0x36: {  	p1 =	seq.s32 s10, $0x1;
	s10 =	sld [smem:$0x3FB0];
	_ =	sdelay $0x3  }
0x37: {  	[smem:$0x3FB0] =	sst s10  }
0x38: {  	s10 =	sld [smem:$0x3FB1]  }
0x39: {  	_ = 	snop;
	(pc) =	sbr.ind lr, $3  }
0x3a: {  	_ = 	snop  }
0x3b: {  	_ = 	snop  }
0x3c: {  	p2 =	seq.s32 s10, $0x1;
	s10 =	sld [smem:$0x3FB0]  }
0x3d: {  	_ =	shalt  }
0x3e: {  	_ =	shalt  }
0x3f: {  	_ =	shalt  }
0x40: {  	_ =	shalt  }
0x41: {  	_ =	shalt  }
0x42: {  	_ =	shalt  }
0x43: {  	_ =	shalt  }
0x44: {  	_ =	shalt  }
0x45: {  	_ =	shalt  }
0x46: {  	_ =	shalt  }
0x47: {  	_ =	shalt  }
0x48: {  	_ =	shalt  }
0x49: {  	_ =	shalt  }
0x4a: {  	_ =	shalt  }
0x4b: {  	_ =	shalt  }
0x4c: {  	_ =	shalt  }
0x4d: {  	_ =	shalt  }
0x4e: {  	_ =	shalt  }
0x4f: {  	_ =	shalt  }
0x50: {  	_ =	shalt  }
0x51: {  	_ =	shalt  }
0x52: {  	_ =	shalt  }
0x53: {  	_ =	shalt  }
0x54: {  	_ =	shalt  }
0x55: {  	_ =	shalt  }
0x56: {  	_ =	shalt  }
0x57: {  	_ =	shalt  }
0x58: {  	_ =	shalt  }
0x59: {  	_ =	shalt  }
0x5a: {  	_ =	shalt  }
0x5b: {  	_ =	shalt  }
0x5c: {  	_ =	shalt  }
0x5d: {  	_ =	shalt  }
0x5e: {  	_ =	shalt  }
0x5f: {  	_ =	shalt  }
0x60: {  	_ =	shalt  }
0x61: {  	_ =	shalt  }
0x62: {  	_ =	shalt  }
0x63: {  	_ =	shalt  }
0x64: {  	_ =	shalt  }
0x65: {  	_ =	shalt  }
0x66: {  	_ =	shalt  }
0x67: {  	_ =	shalt  }
0x68: {  	_ =	shalt  }
0x69: {  	_ =	shalt  }
0x6a: {  	_ =	shalt  }
0x6b: {  	_ =	shalt  }
0x6c: {  	_ =	shalt  }
0x6d: {  	_ =	shalt  }
0x6e: {  	_ =	shalt  }
0x6f: {  	_ =	shalt  }
0x70: {  	_ =	shalt  }
0x71: {  	_ =	shalt  }
0x72: {  	_ =	shalt  }
0x73: {  	_ =	shalt  }
0x74: {  	_ =	shalt  }
0x75: {  	_ =	shalt  }
0x76: {  	_ =	shalt  }
0x77: {  	_ =	shalt  }
0x78: {  	_ =	shalt  }
0x79: {  	_ =	shalt  }
0x7a: {  	_ =	shalt  }
0x7b: {  	_ =	shalt  }
0x7c: {  	_ =	shalt  }
0x7d: {  	_ =	shalt  }
0x7e: {  	_ =	shalt  }
0x7f: {  	_ =	shalt  }
0x80: {  	_ =	shalt  }
0x81: {  	_ =	shalt  }
0x82: {  	_ =	shalt  }
0x83: {  	_ =	shalt  }
0x84: {  	_ =	shalt  }
0x85: {  	_ =	shalt  }
0x86: {  	_ =	shalt  }
0x87: {  	_ =	shalt  }
.Lfunc_end0:
.L_simem_size_0:
called_computation.2_lowered:
.L_overlay_start_0:
0x88: {  	s2 =	sld [smem:$0x3FD9]  }
0x89: {  	s3 =	sld [smem:$0x3FFE];
	_ =	sdelay $0x1  }
0x8a: {  	s1 =	srdreg.scid  }
0x8b: {  	s0 =	sand.u32 $0x1, s1  }
0x8c: {  	s14 =	sshll.u32 s0, $0xA;
	s2 =	sadd.s32 s3, s2  }
0x8d: {  	s2 =	sadd.s32 s2, s14  }
0x8e: {  	[smem:$0x3FBC] =	sst s2  }
0x8f: {  	_ = 	snop  }
0x90: {  	s2 =	sld [smem:$0x3FD0];
	_ =	sdelay $0x2  }
0x91: {  	s15 =	simm.s32 $0xA;
	s4 =	simm.s32 $0x10  }
0x92: {  	[smem:s4], [sflag:s15] =	dma.local [hbm:s2], $0x1  }
0x93: {  	_ =	swait.eq [sflag:s15], $0x1  }
0x94: {  	[sflag:s15] =	ssyncset.done $0x0  }
0x95: {  	[sflag:s15] =	ssyncadd.s32 $0xFFFFFFFF  }
0x96: {  	s16 =	sld [smem:$0x10];
	(tm) =	ssettm $0x1  }
0x97: {  	s17 =	sld [smem:$0x3FFB];
	_ =	sdelay $0x3  }
0x98: {  	_ =	strace s17  }
0x99: {  	s3 =	sld [smem:$0x3FFC];
	_ =	sdelay $0x3  }
0x9a: {  	_ =	strace s3  }
0x9b: {  	s3 =	sld [smem:$0x3FFD];
	_ =	sdelay $0x3  }
0x9c: {  	_ =	strace s3  }
0x9d: {  	_ =	strace $0x8FFFFFFF  }
0x9e: {  	s18 =	sld [smem:$0x3FDB];
	_ =	sdelay $0x1  }
0x9f: {  	s19 =	simm.s32 $_scs_section_size  }
0xa0: {  	s5 =	simm.s32 $_size__tile_overlayer_lowered;
	s6 =	simm.s32 $_tile_overlayer_lowered  }
0xa1: {  	s22 =	simm.s32 $0x1BFF;
	s21 =	sshll.u32 s6, $0x1;
	s3 =	sadd.s32 s19, s18  }
0xa2: {  	s7 =	simm.s32 $0x0;
	s20 =	sshll.u32 s5, $0x1;
	s5 =	sadd.s32 s21, s3  }
0xa3: {  	[timem:s7], [sflag:s22] =	dma.local [hbm:s5], s20  }
0xa4: {  	_ =	swait.ge [sflag:s22], s20  }
0xa5: {  	s4 =	ssub.s32 $0x0, s20;
	[sflag:s22] =	ssyncset.done $0x0  }
0xa6: {  	[sflag:s22] =	ssyncadd.s32 s4;
	_ =	sdelay $0x1  }
0xa7: {  	s23 =	simm.s32 $0x1B8B  }
0xa8: {  	_ =	swait.ge [sflag:s23], $0x1  }
0xa9: {  	[sflag:s23] =	ssyncset.done $0x0  }
0xaa: {  	s25 =	simm.s32 $0x1B8E;
	s24 =	sld [smem:$0x3FFE];
	[sflag:s23] =	ssyncadd.s32 $0xFFFFFFFF  }
0xab: {  	s26 =	simm.s32 $execute0_lowered;
	[smem:$0x3FD2] =	sst s25  }
0xac: {  	s5 =	sshll.u32 s26, $0x1;
	_ =	strace $0x8000004C;
	[dreg:$0x1] =	wrdreg $0xFFFFFFFF  }
0xad: {  	s28 =	simm.s32 $_size_execute0_lowered;
	s3 =	sadd.s32 s3, s5;
	[dreg:$0x0] =	wrdreg $0x0  }
0xae: {  	s5 =	sshll.u32 s28, $0x1;
	[dreg:$0x2] =	wrdreg s3  }
0xaf: {  	[dreg:$0x3] =	wrdreg s5  }
0xb0: {  	[dreg:$0x4] =	wrdreg $0xC0  }
0xb1: {  	_ =	task [dreg:s7], $0x5FFFF  }
0xb2: {  	[dreg:$0x1] =	wrdreg $0xFFFFFFFF  }
0xb3: {  	[dreg:$0x0] =	wrdreg $0x60  }
0xb4: {  	[dreg:$0x2] =	wrdreg s24  }
0xb5: {  	[dreg:$0x3] =	wrdreg s16  }
0xb6: {  	[dreg:$0x4] =	wrdreg $0xA8000  }
0xb7: {  	[dreg:$0x5] =	wrdreg $0x9  }
0xb8: {  	_ =	task.clear_ibuf [dreg:s7], $0x6FFFF;
	_ =	strace $0x9000004C  }
0xb9: {  	s29 =	simm.s32 $0x9;
	_ =	strace $0x8000004E  }
0xba: {  	_ =	swait.ge [sflag:s29], $0x1  }
0xbb: {  	[sflag:s29] =	ssyncadd.s32 $0xFFFFFFFF  }
0xbc: {  	_ =	strace $0x9000004E  }
0xbd: {  	_ =	sfence  }
0xbe: {  	s30 =	sld [smem:$0x0];
	_ =	sdelay $0x2  }
0xbf: {  	s31 =	sshll.u32 s1, $0xD;
	s1 =	sshrl.u32 s1, $0x2  }
0xc0: {  	s3 =	sand.u32 $0x4000, s31;
	s1 =	sadd.s32 s1, s30  }
0xc1: {  	s0 =	sor.u32 s3, s0;
	s1 =	sshll.u32 s1, $0x11  }
0xc2: {  	s0 =	sor.u32 s1, s0  }
0xc3: {  	s0 =	sadd.s32 $0x8F2B, s0  }
0xc4: {  	[sflag:s0] =	ssyncadd.remote.s32 $0x1  }
0xc5: {  	_ =	sfence.sel $0xFFFF  }
0xc6: {  	[dreg:$0x0] =	wrdreg $0xFFFFFFFF;
	(pc) =	sbr.abs _section_cstart, $3  }
0xc7: {  	[dreg:$0x1] =	wrdreg $0xFFFFFFFF  }
0xc8: {  	_ =	task.clear_ibuf [dreg:s7], $0x2FFFF;
	_ =	strace $0x9FFFFFFF  }
0xc9: {  	(tm) =	ssettm $0x7FFFFFFF  }
tec
execute0_lowered:
.L_overlay_start_1:
0x0: {  	(tag) =	ssettag $0x1  }
0x1: {  	s5 =	rddreg [dreg:$0x0]  }
0x2: {  	s8 =	rddreg [dreg:$0x1]  }
0x3: {  	s1 =	rddreg [dreg:$0x2]  }
0x4: {  	s0 =	rddreg [dreg:$0x3];
	s3 =	simm.s32 $0x0;
	s4 =	srdreg.scid  }
0x5: {  	s2 =	stileid.u32;
	s16 =	simm.s32 $0x1;
	s17 =	simm.s32 $0x0  }
0x6: {  	[smem:$0x7FF] =	sst s3;
	s6 =	sand.u32 $0x1, s4;
	s9 =	smul.u32 $0x14000, s2  }
0x7: {  	s26 =	sshll.u32 s2, $0xC;
	s4 =	sadd.s32 $0x3600, s5;
	s29 =	smul.u32 $0x50000, s2  }
0x8: {  	s31 =	sshll.u32 s2, $0x6;
	s7 =	sshll.u32 s6, $0xB;
	_ =	strace $0x8000004D  }
0x9: {  	s28 =	smul.u32 $0x140000, s6;
	s6 =	ssub.s32 $0x2, s6;
	s10 =	sor.u32 s7, s26  }
0xa: {  	s12 =	sshrl.u32 s9, $0x3;
	s13 =	sshrl.u32 s6, $0x1;
	s30 =	sshrl.u32 s29, $0x2  }
0xb: {  	s11 =	sadd.s32 s10, s5;
	s7 =	sadd.s32 s9, s28;
	s12 =	sadd.s32 s12, s5  }
0xc: {  	s13 =	ssub.s32 s6, s13;
	s15 =	sadd.s32 s30, s1;
	s6 =	sor.u32 $0x1C02, s31  }
0xd: {  	s8 =	sadd.s32 s8, s10;
	s7 =	sshrl.u32 s7, $0x3;
	s10 =	smax.u32 s13, $0x1  }
0xe: {  	s13 =	simm.s32 $0x4000;
	s14 =	sadd.s32 s7, s5;
	s5 =	sadd.s32 $0x53600, s12  }
0xf: {  	s7 =	sadd.s32 $0x7B600, s11;
	s11 =	sshrl.u32 s15, $0x3;
	s12 =	simm.s32 $0x2  }
0x10: {  	s15 =	simm.s32 $0x8000;
	s9 =	sadd.s32 $0x8B600, s14;
	s14 =	simm.s32 $0x50  }
.LBB2_1:
0x11: {  	[spmem:s11], [sflag:s6] =	dma.local [hbm:s5], $0x2800  }
0x12: {  	_ =	swait.ge [sflag:s12], $0x2800  }
0x13: {  	[sflag:s12] =	ssyncset.done $0x0  }
0x14: {  	[sflag:s12] =	ssyncadd.s32 $0xFFFFD800  }
0x15: {  	[tilespmem:s3], [sflag:$0x2] =	stream.linear.gather [hbm4b:s7+s3], $0x3E80, $0x38;
	[tilespmem:$0x1E800] =	vst v63  }
0x16: {  	_ =	swait.ge [sflag:s12], $0x3E80  }
0x17: {  	[sflag:s12] =	ssyncset.done $0x0  }
0x18: {  	[sflag:s12] =	ssyncadd.s32 $0xFFFFC180  }
0x19: {  	[tilespmem:s13], [sflag:$0x2] =	stream.linear.gather [hbm4b:s8+s3], $0x3E80, $0x38;
	[tilespmem:$0x1E800] =	vst v63  }
0x1a: {  	_ =	swait.ge [sflag:s12], $0x3E80  }
0x1b: {  	[sflag:s12] =	ssyncset.done $0x0  }
0x1c: {  	[sflag:s12] =	ssyncadd.s32 $0xFFFFC180  }
0x1d: {  	s18 =	simm.s32 $0x0;
	[bflag:$0x0] =	sbarrier.arrive $0xFFFF  }
0x1e: {  	[tilespmem:s15], [sflag:$0x1] =	stream.indirect.gather [hbm4b:s4+s14], $0x80, s18, s14, $0xb8;
	[tilespmem:$0x1E800] =	vst v63  }
0x1f: {  	_ =	swait.ge [sflag:s16], $0x2800  }
0x20: {  	[sflag:s16] =	ssyncset.done $0x0  }
0x21: {  	s31 =	simm.s32 $0x4000;
	[sflag:s16] =	ssyncadd.s32 $0xFFFFD800  }
0x22: {  	[spmem:s1] =	stream.indirect.scatter.add.f32 [tilespmem:s15], [sflag:$0x2], $0x80, s31, s14, $0xb8;
	[tilespmem:$0x1E800] =	vst v63  }
0x23: {  	_ =	swait.ge [sflag:s12], $0x2800  }
0x24: {  	s19 =	simm.s32 $0x400;
	s18 =	simm.s32 $0x200;
	[sflag:s12] =	ssyncset.done $0x0  }
.LBB2_2:
0x25: {  	s20 =	sshra.s32 s18, $0x2  }
0x26: {  	[sflag:s12] =	ssyncadd.s32 $0xFFFFD800;
	s18 =	smov.u32 s19;
	s21 =	sadd.s32 $0x200, s19  }
0x27: {  	[tilespmem:s15], [sflag:$0x1] =	stream.indirect.gather [hbm4b:s4+s14], $0x80, s20, s14, $0xb8;
	[tilespmem:$0x1E800] =	vst v63  }
0x28: {  	p0 =	sne.s32 s19, $0xF800;
	_ =	swait.ge [sflag:s16], $0x2800  }
.Ltmp0:
0x29: {  	[sflag:s16] =	ssyncset.done $0x0;
	(pc) =	sbr.rel @p0 .LBB2_2-.Ltmp0, $4  }
0x2a: {  	s19 =	sadd.s32 $0x4000, s20;
	[sflag:s16] =	ssyncadd.s32 $0xFFFFD800  }
0x2b: {  	[spmem:s1] =	stream.indirect.scatter.add.f32 [tilespmem:s15], [sflag:$0x2], $0x80, s19, s14, $0xb8;
	[tilespmem:$0x1E800] =	vst v63  }
0x2c: {  	_ =	swait.ge [sflag:s12], $0x2800  }
0x2d: {  	s19 =	smov.u32 s21;
	[sflag:s12] =	ssyncset.done $0x0  }
0x2e: {  	s18 =	sshra.s32 s18, $0x2;
	[sflag:s12] =	ssyncadd.s32 $0xFFFFD800  }
0x2f: {  	[tilespmem:s15], [sflag:$0x1] =	stream.indirect.gather [hbm4b:s4+s14], $0x80, s18, s14, $0xb8;
	[tilespmem:$0x1E800] =	vst v63  }
0x30: {  	_ =	swait.ge [sflag:s16], $0x2800  }
0x31: {  	[sflag:s16] =	ssyncset.done $0x0  }
0x32: {  	s18 =	sadd.s32 $0x4000, s18;
	[sflag:s16] =	ssyncadd.s32 $0xFFFFD800  }
0x33: {  	[spmem:s1] =	stream.indirect.scatter.add.f32 [tilespmem:s15], [sflag:$0x2], $0x80, s18, s14, $0xb8;
	[tilespmem:$0x1E800] =	vst v63  }
0x34: {  	_ =	swait.ge [sflag:s12], $0x2800  }
0x35: {  	s17 =	sadd.s32 $0x1, s17;
	[sflag:s12] =	ssyncset.done $0x0  }
0x36: {  	p0 =	sne.s32 s17, s10;
	[sflag:s12] =	ssyncadd.s32 $0xFFFFD800  }
.Ltmp1:
0x37: {  	[bflag:$0x0] =	sbarrier.arrive $0xFFFF;
	(pc) =	sbr.rel @p0 .LBB2_1-.Ltmp1, $4  }
0x38: {  	[hbm:s9], [sflag:s6] =	dma.local [spmem:s11], $0x2800  }
0x39: {  	_ =	swait.ge [sflag:s12], $0x2800  }
0x3a: {  	[sflag:s12] =	ssyncset.done $0x0  }
0x3b: {  	[sflag:s12] =	ssyncadd.s32 $0xFFFFD800  }
0x3c: {  	_ =	sfence.sel $0x180000  }
0x3d: {  	[bflag:$0x0] =	sbarrier.arrive $0xFFFF  }
0x3e: {  	p0 =	sne.s32 s2, $0x0;
	_ =	strace $0x9000004D  }
0x3f: {  	s0 =	sadd.s32 @!p0 $0x100000, s0;
	[bflag:$0x2] =	sbarrier.arrive $0xFFFF  }
0x40: {  	[sflag:s0] =	ssyncadd.tile.s32 @!p0 $0x1;
	_ =	shalt  }
.Lfunc_end2:
_tile_overlayer_lowered:
.L_overlay_start_2:
0x41: {  	(tag) =	ssettag $0x2  }
0x42: {  	s0 =	rddreg [dreg:$0x0];
	s2 =	stileid.u32  }
0x43: {  	s1 =	rddreg [dreg:$0x1];
	p0 =	sne.s32 s2, $0x0  }
0x44: {  	s3 =	rddreg [dreg:$0x2];
	[bflag:$0x3] =	sbarrier.arrive $0xFFFF;
	s2 =	simm.s32 @!p0 $0x1C02  }
0x45: {  	[timem:s3], [sflag:s2] =	dma.local @!p0 [hbm:s0], s1  }
0x46: {  	s0 =	simm.s32 @!p0 $0x2  }
0x47: {  	_ =	swait.ge @!p0 [sflag:s0], s1  }
0x48: {  	s1 =	ssub.s32 @!p0 $0x0, s1;
	[sflag:s0] =	ssyncset.done @!p0 $0x0  }
0x49: {  	[sflag:s0] =	ssyncadd.s32 @!p0 s1  }
0x4a: {  	[bflag:$0x3] =	sbarrier.arrive $0xFFFF  }
0x4b: {  	_ =	shalt  }

// kernel: kernel.8.cloned.1.call-start
scs
__scs_entry_jumppad:
0x0: {  	(pc) =	sbr.rel $0x88, $3  }
0x1: {  	(tag) =	ssettag $0x0;
	lr =	simm.s32 $0x1  }
0x2: {  	[smem:$0x3F95] =	sst lr;
	_ =	strace $0xD0000000  }
0x3: {  	_ = 	snop  }
0x4: {  	_ = 	snop  }
0x5: {  	_ = 	snop  }
0x6: {  	_ = 	snop  }
0x7: {  	_ = 	snop  }
__scs_overlays_trampoline_lowered:
0x8: {  	[smem:$0x3FA4] =	sst s0  }
0x9: {  	[smem:$0x3FA5] =	sst s1  }
0xa: {  	[smem:$0x3FA6] =	sst s2  }
0xb: {  	[smem:$0x3FA7] =	sst s3  }
0xc: {  	[smem:$0x3FA8] =	sst s4  }
0xd: {  	[smem:$0x3FA9] =	sst s5  }
0xe: {  	[smem:$0x3FAA] =	sst s6  }
0xf: {  	[smem:$0x3FAB] =	sst s7  }
0x10: {  	[smem:$0x3FAC] =	sst s8  }
0x11: {  	[smem:$0x3FAD] =	sst s9;
	s0 =	simm.s32 @!p0 $0x0  }
0x12: {  	s1 =	sld [smem:$0x3F93];
	s0 =	simm.s32 @p0 $0x1  }
0x13: {  	[smem:$0x3FAE] =	sst s0;
	s0 =	simm.s32 @!p1 $0x0  }
0x14: {  	s2 =	sld [smem:$0x3F92];
	s0 =	simm.s32 @p1 $0x1  }
0x15: {  	[smem:$0x3FAF] =	sst s0;
	s0 =	simm.s32 @!p2 $0x0  }
0x16: {  	s3 =	sld [smem:$0x3FDB];
	s0 =	simm.s32 @p2 $0x1  }
0x17: {  	s4 =	simm.s32 $0x1BF5;
	[smem:$0x3FB1] =	sst s0  }
0x18: {  	s0 =	sld [smem:$0x3F94];
	_ =	swait.ge [sflag:s4], $0x0  }
0x19: {  	s7 =	sld [smem:$0x3F95]  }
0x1a: {  	s8 =	sadd.s32 $0xFFFFE003, lr  }
0x1b: {  	s9 =	sadd.s32 $0xFFFFFEF7, lr;
	s5 =	simm.s32 $0xFFFFFFFF;
	p2 =	slt.u32 s8, $0xFFFFF086  }
0x1c: {  	p1 =	slt.u32 s9, $0xF7A;
	s5 =	simm.s32 @!p2 $0x0  }
0x1d: {  	s5 =	simm.s32 @p1 $0x1;
	p0 =	seq.s32 s7, s2  }
0x1e: {  	s7 =	smul.u32 @!p0 $0xF7A, s2;
	p2 =	seq.s32 @!p0 s5, $0x0  }
0x1f: {  	s9 =	smul.u32 $0xF7A, s1;
	s8 =	simm.s32 @!p0 $0x1BF5;
	p2 =	por !p2, p0  }
0x20: {  	[sflag:s8] =	ssyncset.s32 @!p0 $0xFFFFF086;
	s6 =	sadd.s32 @!p0 s3, s7;
	s7 =	simm.s32 @!p0 $0x108  }
0x21: {  	s3 =	sadd.s32 s3, s9;
	s6 =	sadd.s32 @!p0 $0x88, s6;
	s7 =	simm.s32 @p2 $0x1082  }
0x22: {  	[simem:s7], [sflag:s8] =	dma.local @!p0 [hbm:s6], $0xF7A  }
0x23: {  	s9 =	sor.u32 $0xD0000000, s2;
	s6 =	simm.s32 $0x108;
	_ =	swait.ge @!p0 [sflag:s8], $0x0  }
0x24: {  	s3 =	sadd.s32 $0x88, s3;
	s6 =	simm.s32 @!p1 $0x1082;
	[sflag:s4] =	ssyncset.s32 $0xFFFFF086  }
0x25: {  	[simem:s6], [sflag:s4] =	dma.local [hbm:s3], $0xF7A  }
0x26: {  	[smem:$0x3F95] =	sst s1;
	(tag) =	ssettag s2;
	_ =	strace s9  }
0x27: {  	s1 =	sld [smem:$0x3FA5]  }
0x28: {  	s2 =	sld [smem:$0x3FA6]  }
0x29: {  	s4 =	sld [smem:$0x3FA8]  }
0x2a: {  	p0 =	seq.s32 s5, $0x0;
	s5 =	sld [smem:$0x3FA9]  }
0x2b: {  	s6 =	sld [smem:$0x3FAA]  }
0x2c: {  	s7 =	sld [smem:$0x3FAB]  }
0x2d: {  	s3 =	simm.s32 $0x108;
	s8 =	sld [smem:$0x3FAC]  }
0x2e: {  	s3 =	simm.s32 @!p0 $0x1082;
	s9 =	sld [smem:$0x3FAD]  }
0x2f: {  	lr =	sadd.s32 s0, s3;
	s0 =	sld [smem:$0x3FA4]  }
0x30: {  	s3 =	sld [smem:$0x3FA7]  }
0x31: {  	[smem:$0x3FB0] =	sst s10  }
0x32: {  	s10 =	sld [smem:$0x3FAE];
	_ =	sdelay $0x3  }
0x33: {  	p0 =	seq.s32 s10, $0x1;
	s10 =	sld [smem:$0x3FB0];
	_ =	sdelay $0x3  }
0x34: {  	[smem:$0x3FB0] =	sst s10  }
0x35: {  	s10 =	sld [smem:$0x3FAF];
	_ =	sdelay $0x3  }
0x36: {  	p1 =	seq.s32 s10, $0x1;
	s10 =	sld [smem:$0x3FB0];
	_ =	sdelay $0x3  }
0x37: {  	[smem:$0x3FB0] =	sst s10  }
0x38: {  	s10 =	sld [smem:$0x3FB1]  }
0x39: {  	_ = 	snop;
	(pc) =	sbr.ind lr, $3  }
0x3a: {  	_ = 	snop  }
0x3b: {  	_ = 	snop  }
0x3c: {  	p2 =	seq.s32 s10, $0x1;
	s10 =	sld [smem:$0x3FB0]  }
0x3d: {  	_ =	shalt  }
0x3e: {  	_ =	shalt  }
0x3f: {  	_ =	shalt  }
0x40: {  	_ =	shalt  }
0x41: {  	_ =	shalt  }
0x42: {  	_ =	shalt  }
0x43: {  	_ =	shalt  }
0x44: {  	_ =	shalt  }
0x45: {  	_ =	shalt  }
0x46: {  	_ =	shalt  }
0x47: {  	_ =	shalt  }
0x48: {  	_ =	shalt  }
0x49: {  	_ =	shalt  }
0x4a: {  	_ =	shalt  }
0x4b: {  	_ =	shalt  }
0x4c: {  	_ =	shalt  }
0x4d: {  	_ =	shalt  }
0x4e: {  	_ =	shalt  }
0x4f: {  	_ =	shalt  }
0x50: {  	_ =	shalt  }
0x51: {  	_ =	shalt  }
0x52: {  	_ =	shalt  }
0x53: {  	_ =	shalt  }
0x54: {  	_ =	shalt  }
0x55: {  	_ =	shalt  }
0x56: {  	_ =	shalt  }
0x57: {  	_ =	shalt  }
0x58: {  	_ =	shalt  }
0x59: {  	_ =	shalt  }
0x5a: {  	_ =	shalt  }
0x5b: {  	_ =	shalt  }
0x5c: {  	_ =	shalt  }
0x5d: {  	_ =	shalt  }
0x5e: {  	_ =	shalt  }
0x5f: {  	_ =	shalt  }
0x60: {  	_ =	shalt  }
0x61: {  	_ =	shalt  }
0x62: {  	_ =	shalt  }
0x63: {  	_ =	shalt  }
0x64: {  	_ =	shalt  }
0x65: {  	_ =	shalt  }
0x66: {  	_ =	shalt  }
0x67: {  	_ =	shalt  }
0x68: {  	_ =	shalt  }
0x69: {  	_ =	shalt  }
0x6a: {  	_ =	shalt  }
0x6b: {  	_ =	shalt  }
0x6c: {  	_ =	shalt  }
0x6d: {  	_ =	shalt  }
0x6e: {  	_ =	shalt  }
0x6f: {  	_ =	shalt  }
0x70: {  	_ =	shalt  }
0x71: {  	_ =	shalt  }
0x72: {  	_ =	shalt  }
0x73: {  	_ =	shalt  }
0x74: {  	_ =	shalt  }
0x75: {  	_ =	shalt  }
0x76: {  	_ =	shalt  }
0x77: {  	_ =	shalt  }
0x78: {  	_ =	shalt  }
0x79: {  	_ =	shalt  }
0x7a: {  	_ =	shalt  }
0x7b: {  	_ =	shalt  }
0x7c: {  	_ =	shalt  }
0x7d: {  	_ =	shalt  }
0x7e: {  	_ =	shalt  }
0x7f: {  	_ =	shalt  }
0x80: {  	_ =	shalt  }
0x81: {  	_ =	shalt  }
0x82: {  	_ =	shalt  }
0x83: {  	_ =	shalt  }
0x84: {  	_ =	shalt  }
0x85: {  	_ =	shalt  }
0x86: {  	_ =	shalt  }
0x87: {  	_ =	shalt  }
.Lfunc_end0:
.L_simem_size_0:
called_computation_lowered:
.L_overlay_start_0:
0x88: {  	s2 =	sld [smem:$0x3FD9]  }
0x89: {  	s3 =	sld [smem:$0x3FFE];
	_ =	sdelay $0x1  }
0x8a: {  	s1 =	srdreg.scid  }
0x8b: {  	s0 =	sand.u32 $0x1, s1  }
0x8c: {  	s14 =	sshll.u32 s0, $0xA;
	s2 =	sadd.s32 s3, s2  }
0x8d: {  	s2 =	sadd.s32 s2, s14  }
0x8e: {  	[smem:$0x3FBC] =	sst s2  }
0x8f: {  	_ = 	snop  }
0x90: {  	s2 =	sld [smem:$0x3FD0];
	_ =	sdelay $0x2  }
0x91: {  	s15 =	simm.s32 $0xA;
	s4 =	simm.s32 $0x10  }
0x92: {  	[smem:s4], [sflag:s15] =	dma.local [hbm:s2], $0x1  }
0x93: {  	_ =	swait.eq [sflag:s15], $0x1  }
0x94: {  	[sflag:s15] =	ssyncset.done $0x0  }
0x95: {  	s16 =	sld [smem:$0x10];
	[sflag:s15] =	ssyncadd.s32 $0xFFFFFFFF  }
0x96: {  	s17 =	sld [smem:$0x11];
	(tm) =	ssettm $0x1  }
0x97: {  	s18 =	sld [smem:$0x3FFB];
	_ =	sdelay $0x3  }
0x98: {  	_ =	strace s18  }
0x99: {  	s4 =	sld [smem:$0x3FFC];
	_ =	sdelay $0x3  }
0x9a: {  	_ =	strace s4  }
0x9b: {  	s4 =	sld [smem:$0x3FFD];
	_ =	sdelay $0x3  }
0x9c: {  	_ =	strace s4  }
0x9d: {  	_ =	strace $0x8FFFFFFF  }
0x9e: {  	s19 =	sld [smem:$0x3FDB];
	_ =	sdelay $0x1  }
0x9f: {  	s5 =	simm.s32 $_scs_section_size  }
0xa0: {  	s6 =	simm.s32 $_size__tile_overlayer_lowered;
	s7 =	simm.s32 $_tile_overlayer_lowered  }
0xa1: {  	s22 =	simm.s32 $0x1BFF;
	s21 =	sshll.u32 s7, $0x1;
	s4 =	sadd.s32 s5, s19  }
0xa2: {  	s8 =	simm.s32 $0x0;
	s20 =	sshll.u32 s6, $0x1;
	s6 =	sadd.s32 s21, s4  }
0xa3: {  	[timem:s8], [sflag:s22] =	dma.local [hbm:s6], s20  }
0xa4: {  	_ =	swait.ge [sflag:s22], s20  }
0xa5: {  	s5 =	ssub.s32 $0x0, s20;
	[sflag:s22] =	ssyncset.done $0x0  }
0xa6: {  	[sflag:s22] =	ssyncadd.s32 s5;
	_ =	sdelay $0x1  }
0xa7: {  	s23 =	simm.s32 $0x1B8B  }
0xa8: {  	_ =	swait.ge [sflag:s23], $0x1  }
0xa9: {  	[sflag:s23] =	ssyncset.done $0x0  }
0xaa: {  	s25 =	simm.s32 $0x1B8E;
	s24 =	sld [smem:$0x3FFE];
	[sflag:s23] =	ssyncadd.s32 $0xFFFFFFFF  }
0xab: {  	s26 =	simm.s32 $execute0_lowered;
	[smem:$0x3FD2] =	sst s25  }
0xac: {  	s6 =	sshll.u32 s26, $0x1;
	_ =	strace $0x80000046;
	[dreg:$0x1] =	wrdreg $0xFFFFFFFF  }
0xad: {  	s28 =	simm.s32 $_size_execute0_lowered;
	s4 =	sadd.s32 s4, s6;
	[dreg:$0x0] =	wrdreg $0x0  }
0xae: {  	s6 =	sshll.u32 s28, $0x1;
	[dreg:$0x2] =	wrdreg s4  }
0xaf: {  	[dreg:$0x3] =	wrdreg s6  }
0xb0: {  	[dreg:$0x4] =	wrdreg $0xC0  }
0xb1: {  	_ =	task [dreg:s8], $0x5FFFF  }
0xb2: {  	[dreg:$0x1] =	wrdreg $0xFFFFFFFF  }
0xb3: {  	[dreg:$0x0] =	wrdreg $0x60  }
0xb4: {  	[dreg:$0x2] =	wrdreg s16  }
0xb5: {  	[dreg:$0x3] =	wrdreg s24  }
0xb6: {  	[dreg:$0x4] =	wrdreg s17  }
0xb7: {  	[dreg:$0x5] =	wrdreg $0x68000  }
0xb8: {  	[dreg:$0x6] =	wrdreg $0x9  }
0xb9: {  	_ =	task.clear_ibuf [dreg:s8], $0x7FFFF;
	_ =	strace $0x90000046  }
0xba: {  	s29 =	simm.s32 $0x9;
	_ =	strace $0x80000048  }
0xbb: {  	_ =	swait.ge [sflag:s29], $0x1  }
0xbc: {  	[sflag:s29] =	ssyncadd.s32 $0xFFFFFFFF  }
0xbd: {  	_ =	strace $0x90000048  }
0xbe: {  	_ =	sfence  }
0xbf: {  	s30 =	sld [smem:$0x0];
	_ =	sdelay $0x2  }
0xc0: {  	s31 =	sshll.u32 s1, $0xD;
	s1 =	sshrl.u32 s1, $0x2  }
0xc1: {  	s3 =	sand.u32 $0x4000, s31;
	s1 =	sadd.s32 s1, s30  }
0xc2: {  	s0 =	sor.u32 s3, s0;
	s1 =	sshll.u32 s1, $0x11  }
0xc3: {  	s0 =	sor.u32 s1, s0  }
0xc4: {  	s0 =	sadd.s32 $0x8F2B, s0  }
0xc5: {  	[sflag:s0] =	ssyncadd.remote.s32 $0x1  }
0xc6: {  	_ =	sfence.sel $0xFFFF  }
0xc7: {  	[dreg:$0x0] =	wrdreg $0xFFFFFFFF;
	(pc) =	sbr.abs _section_cstart, $3  }
0xc8: {  	[dreg:$0x1] =	wrdreg $0xFFFFFFFF  }
0xc9: {  	_ =	task.clear_ibuf [dreg:s8], $0x2FFFF;
	_ =	strace $0x9FFFFFFF  }
0xca: {  	(tm) =	ssettm $0x7FFFFFFF  }
0xcb: {  	_ =	shalt  }
tec
execute0_lowered:
.L_overlay_start_1:
0x0: {  	(tag) =	ssettag $0x1  }
0x1: {  	s6 =	rddreg [dreg:$0x0]  }
0x2: {  	s5 =	rddreg [dreg:$0x1]  }
0x3: {  	s2 =	rddreg [dreg:$0x2]  }
0x4: {  	s3 =	rddreg [dreg:$0x3]  }
0x5: {  	s0 =	rddreg [dreg:$0x4]  }
0x6: {  	s1 =	stileid.u32;
	s7 =	srdreg.scid;
	s4 =	simm.s32 $0x0  }
0x7: {  	s13 =	simm.s32 $0x50;
	s14 =	simm.s32 $0x0;
	s8 =	smul.u32 $0x14000, s1  }
0x8: {  	s7 =	sand.u32 $0x1, s7;
	[smem:$0x7FF] =	sst s4;
	s11 =	smul.u32 $0x50000, s1  }
0x9: {  	s30 =	sshll.u32 s1, $0x6;
	s31 =	sshll.u32 s1, $0xC;
	s9 =	smul.u32 $0x140000, s7  }
0xa: {  	_ =	strace $0x80000047;
	s28 =	ssub.s32 $0x2, s7;
	s7 =	sshll.u32 s7, $0xB  }
0xb: {  	s10 =	sshrl.u32 s8, $0x3;
	s12 =	sshrl.u32 s28, $0x1;
	s29 =	sshrl.u32 s11, $0x2  }
0xc: {  	s7 =	sadd.s32 s6, s7;
	s6 =	sor.u32 $0x1C01, s30;
	s8 =	sadd.s32 s8, s9  }
0xd: {  	s10 =	sadd.s32 s10, s5;
	s9 =	ssub.s32 s28, s12;
	s11 =	sadd.s32 s29, s3  }
0xe: {  	s7 =	sadd.s32 s31, s7;
	s12 =	simm.s32 $0x4000;
	s8 =	sshrl.u32 s8, $0x3  }
0xf: {  	s9 =	smax.u32 s9, $0x1;
	s8 =	sadd.s32 s8, s5;
	s5 =	sadd.s32 $0x3600, s10  }
0x10: {  	s10 =	sshrl.u32 s11, $0x3;
	s11 =	simm.s32 $0x1;
	s8 =	sadd.s32 $0x2B600, s8  }
.LBB2_1:
0x11: {  	[spmem:s10], [sflag:s6] =	dma.local [hbm:s5], $0x2800  }
0x12: {  	_ =	swait.ge [sflag:s11], $0x2800  }
0x13: {  	[sflag:s11] =	ssyncset.done $0x0  }
0x14: {  	[sflag:s11] =	ssyncadd.s32 $0xFFFFD800  }
0x15: {  	[tilespmem:s12], [sflag:$0x1] =	stream.linear.gather [hbm4b:s2+s4], $0x2800, $0x38;
	[tilespmem:$0x9000] =	vst v63  }
0x16: {  	_ =	swait.ge [sflag:s11], $0x2800  }
0x17: {  	[sflag:s11] =	ssyncset.done $0x0  }
0x18: {  	[sflag:s11] =	ssyncadd.s32 $0xFFFFD800  }
0x19: {  	[tilespmem:s4], [sflag:$0x1] =	stream.linear.gather [hbm4b:s7+s4], $0x3E80, $0x38;
	[tilespmem:$0x9000] =	vst v63  }
0x1a: {  	_ =	swait.ge [sflag:s11], $0x3E80  }
0x1b: {  	[sflag:s11] =	ssyncset.done $0x0  }
0x1c: {  	[sflag:s11] =	ssyncadd.s32 $0xFFFFC180  }
0x1d: {  	s15 =	simm.s32 $0x0;
	[bflag:$0x0] =	sbarrier.arrive $0xFFFF  }
0x1e: {  	[spmem:s3] =	stream.indirect.scatter.add.f32 [tilespmem:s12], [sflag:$0x1], $0x10, s15, s13, $0xb8;
	[tilespmem:$0x9000] =	vst v63  }
0x1f: {  	_ =	swait.ge [sflag:s11], $0x500  }
0x20: {  	s15 =	simm.s32 $0x200;
	[sflag:s11] =	ssyncset.done $0x0  }
.LBB2_2:
0x21: {  	s16 =	sshra.s32 s15, $0x2;
	[sflag:s11] =	ssyncadd.s32 $0xFFFFFB00;
	p0 =	sne.s32 s15, $0xF800  }
0x22: {  	[spmem:s3] =	stream.indirect.scatter.add.f32 [tilespmem:s12], [sflag:$0x1], $0x10, s16, s13, $0xb8;
	[tilespmem:$0x9000] =	vst v63  }
.Ltmp0:
0x23: {  	_ = 	snop;
	(pc) =	sbr.rel @p0 .LBB2_2-.Ltmp0, $4  }
0x24: {  	_ = 	snop  }
0x25: {  	s15 =	sadd.s32 $0x200, s15  }
0x26: {  	_ =	swait.ge [sflag:s11], $0x500  }
0x27: {  	[sflag:s11] =	ssyncset.done $0x0  }
0x28: {  	s14 =	sadd.s32 $0x1, s14  }
0x29: {  	[sflag:s11] =	ssyncadd.s32 $0xFFFFFB00;
	p0 =	sne.s32 s14, s9  }
.Ltmp1:
0x2a: {  	[bflag:$0x0] =	sbarrier.arrive $0xFFFF;
	(pc) =	sbr.rel @p0 .LBB2_1-.Ltmp1, $4  }
0x2b: {  	[hbm:s8], [sflag:s6] =	dma.local [spmem:s10], $0x2800  }
0x2c: {  	_ =	swait.ge [sflag:s11], $0x2800  }
0x2d: {  	[sflag:s11] =	ssyncset.done $0x0  }
0x2e: {  	[sflag:s11] =	ssyncadd.s32 $0xFFFFD800  }
0x2f: {  	_ =	sfence.sel $0x180000  }
0x30: {  	[bflag:$0x0] =	sbarrier.arrive $0xFFFF  }
0x31: {  	p0 =	sne.s32 s1, $0x0;
	_ =	strace $0x90000047  }
0x32: {  	s0 =	sadd.s32 @!p0 $0x100000, s0;
	[bflag:$0x2] =	sbarrier.arrive $0xFFFF  }
0x33: {  	[sflag:s0] =	ssyncadd.tile.s32 @!p0 $0x1;
	_ =	shalt  }
.Lfunc_end2:
_tile_overlayer_lowered:
.L_overlay_start_2:
0x34: {  	(tag) =	ssettag $0x2  }
0x35: {  	s0 =	rddreg [dreg:$0x0];
	s2 =	stileid.u32  }
0x36: {  	s1 =	rddreg [dreg:$0x1];
	p0 =	sne.s32 s2, $0x0  }
0x37: {  	s3 =	rddreg [dreg:$0x2];
	[bflag:$0x3] =	sbarrier.arrive $0xFFFF;
	s2 =	simm.s32 @!p0 $0x1C01  }
0x38: {  	[timem:s3], [sflag:s2] =	dma.local @!p0 [hbm:s0], s1  }
0x39: {  	s0 =	simm.s32 @!p0 $0x1  }
0x3a: {  	_ =	swait.ge @!p0 [sflag:s0], s1  }
0x3b: {  	s1 =	ssub.s32 @!p0 $0x0, s1;
	[sflag:s0] =	ssyncset.done @!p0 $0x0  }
0x3c: {  	[sflag:s0] =	ssyncadd.s32 @!p0 s1  }
0x3d: {  	[bflag:$0x3] =	sbarrier.arrive $0xFFFF  }
0x3e: {  	_ =	shalt  }

</sc_bundles>
